<compile_context>
chip_gen: v7x
topology: tpu7x:2x2x1
jax: 0.10.2.dev20260603
libtpu: 0.0.44.dev20260713+nightly
codegen_flags: <defaults>
</compile_context>

<pallas_src>
import functools

import jax
import jax.numpy as jnp
from jax import lax
from jax.experimental import pallas as pl
from jax.experimental.pallas import tpu as pltpu
from jax.experimental.pallas import tpu_sc as plsc

N_CORE = 20000
N_AUX = 5000
AUX_OFF = 20096
GAP = AUX_OFF - N_CORE
BINS_PAD = 26624
D = 256
N_IDS = 1024000
NUM_WORKERS = 32
LANES = 16
ID_R = 1000

_mesh = plsc.VectorSubcoreMesh(core_axis_name="c", subcore_axis_name="s")

NUM_SUB = 16
SL = BINS_PAD // NUM_SUB


@functools.partial(
    pl.kernel,
    out_type=jax.ShapeDtypeStruct((2, BINS_PAD), jnp.float32),
    mesh=_mesh,
    scratch_types=[
        pltpu.VMEM((32, 1024), jnp.int32),
        pltpu.VMEM((BINS_PAD,), jnp.float32),
        pltpu.VMEM((NUM_SUB, SL), jnp.float32),
        pltpu.VMEM_SHARED((NUM_SUB, BINS_PAD), jnp.float32),
        pltpu.SemaphoreType.DMA,
    ],
    compiler_params=pltpu.CompilerParams(needs_layout_passes=False),
)
def _histogram(ids_hbm, out_hbm, ids_v, counts_v, red_v, shared, sem):
    cid = lax.axis_index("c")
    sid = lax.axis_index("s")
    wid = sid * 2 + cid
    c0 = (wid * (ID_R // 8)) // NUM_WORKERS
    c1 = ((wid + 1) * (ID_R // 8)) // NUM_WORKERS
    nch = c1 - c0

    cps = [pltpu.async_copy(ids_hbm.at[pl.ds((c0 + k) * 8, 8)],
                            ids_v.at[pl.ds(k * 8, 8)], sem)
           for k in range(3)]

    @pl.when(nch == 4)
    def _fetch4():
        pltpu.async_copy(ids_hbm.at[pl.ds((c0 + 3) * 8, 8)],
                         ids_v.at[pl.ds(24, 8)], sem)

    zeros = jnp.zeros((LANES,), jnp.float32)

    @plsc.parallel_loop(0, BINS_PAD // LANES, unroll=8)
    def _zero(i):
        counts_v[pl.ds(i * LANES, LANES)] = zeros

    for cp in cps:
        cp.wait()

    @pl.when(nch == 4)
    def _wait4():
        pltpu.make_async_copy(ids_hbm.at[pl.ds((c0 + 3) * 8, 8)],
                              ids_v.at[pl.ds(24, 8)], sem).wait()

    ones = jnp.ones((LANES,), jnp.float32)
    nv = nch * (8 * 1024 // LANES)

    @plsc.parallel_loop(0, nv, unroll=8)
    def _scat(i):
        r = i >> 6
        h = i & 63
        idx = ids_v[r, pl.ds(h * LANES, LANES)]
        idx = jnp.where(idx >= N_CORE, idx + GAP, idx)
        plsc.addupdate_scatter(counts_v, [idx], ones)

    pltpu.sync_copy(counts_v, shared.at[sid])
    plsc.subcore_barrier()
    base = sid * SL
    pltpu.sync_copy(shared.at[:, pl.ds(base, SL)], red_v)

    @plsc.parallel_loop(0, SL // LANES, unroll=2)
    def _red(i):
        acc = red_v[0, pl.ds(i * LANES, LANES)]
        for r in range(1, NUM_SUB):
            acc = acc + red_v[r, pl.ds(i * LANES, LANES)]
        counts_v[pl.ds(i * LANES, LANES)] = acc

    pltpu.sync_copy(counts_v.at[pl.ds(0, SL)],
                    out_hbm.at[cid, pl.ds(base, SL)])


_CB = 4096
_AB = 1024
_STEPS = 5


def _matvec_body(cnt_ref, core_ref, aux_ref, out_ref, acc_ref):
    j = pl.program_id(0)

    @pl.when(j == 0)
    def _init():
        acc_ref[...] = jnp.zeros_like(acc_ref)

    cc = cnt_ref[:, pl.ds(j * _CB, _CB)]
    ca = cnt_ref[:, pl.ds(AUX_OFF + j * _AB, _AB)]

    core_rows = j * _CB + lax.broadcasted_iota(jnp.int32, (_CB, 1), 0)
    core = jnp.where(core_rows < N_CORE, core_ref[...], 0.0)
    aux_rows = j * _AB + lax.broadcasted_iota(jnp.int32, (_AB, 1), 0)
    aux = jnp.where(aux_rows < N_AUX, aux_ref[...], 0.0)

    acc = lax.dot_general(
        cc, core, (((1,), (0,)), ((), ())),
        precision=lax.Precision.HIGHEST,
        preferred_element_type=jnp.float32,
    )
    acc = acc + lax.dot_general(
        ca, aux, (((1,), (0,)), ((), ())),
        precision=lax.Precision.HIGHEST,
        preferred_element_type=jnp.float32,
    )
    acc_ref[...] += acc

    @pl.when(j == _STEPS - 1)
    def _fin():
        out_ref[...] = (acc_ref[0:1, :] + acc_ref[1:2, :]) * (1.0 / N_IDS)


def _weighted_sum(counts, core_feats, aux_feats):
    return pl.pallas_call(
        _matvec_body,
        grid=(_STEPS,),
        in_specs=[
            pl.BlockSpec((2, BINS_PAD), lambda j: (0, 0)),
            pl.BlockSpec((_CB, D), lambda j: (j, 0)),
            pl.BlockSpec((_AB, D), lambda j: (j, 0)),
        ],
        out_specs=pl.BlockSpec((1, D), lambda j: (0, 0)),
        out_shape=jax.ShapeDtypeStruct((1, D), jnp.float32),
        scratch_shapes=[pltpu.VMEM((2, D), jnp.float32)],
    )(counts, core_feats, aux_feats)


def kernel(core_feats, aux_feats, id_map):
    ids = id_map.reshape(ID_R, 1024)
    counts = _histogram(ids)
    return _weighted_sum(counts, core_feats, aux_feats)

# --- scband reference (transcript-rebuilt; emitter-appended) ---
"""Pipeline reference for scband-id-avg2d-21053929685482 (READ-ONLY COPY).

The authoritative reference and input builder live on the scoring server;
editing this copy changes nothing except your own understanding.
"""

import jax, jax.numpy as jnp
import numpy as np


def setup_inputs(seed: int = 0) -> dict:
    key = jax.random.key(seed)
    k1, k2, k3 = jax.random.split(key, 3)
    core_feats = jax.random.normal(k1, (20000, 256), dtype=jnp.float32)
    aux_feats = jax.random.normal(k2, (5000, 256), dtype=jnp.float32)
    id_map = jax.random.randint(k3, (1000, 32, 32), 0, 25000, dtype=jnp.int64)
    return {"core_feats": core_feats, "aux_feats": aux_feats, "id_map": id_map}


def reference(core_feats, aux_feats, id_map):
    num_core_feats = core_feats.shape[0]
    num_aux_feats = aux_feats.shape[0]
    num_feats = num_core_feats + num_aux_feats
    counts = jnp.bincount(id_map.flatten(), minlength=num_feats, length=num_feats)
    counts = counts[:, None].astype(core_feats.dtype)
    avg_feat = (counts[:num_core_feats] * core_feats).sum(axis=0, keepdims=True)
    avg_feat = avg_feat + (counts[num_core_feats:] * aux_feats).sum(axis=0, keepdims=True)
    avg_feat = avg_feat * (1.0 / id_map.size)
    return avg_feat

if __name__ == "__main__":
    import jax
    _d = setup_inputs()
    print(jax.jit(kernel)(*tuple(_d.values())))

</pallas_src>

<mosaic_0001>
#map = affine_map<(d0, d1) -> (0, 0)>
module attributes {stable_mosaic.version = 14 : i64} {
  func.func @_histogram(%arg0: i32, %arg1: i32, %arg2: memref<1000x1024xi32, #tpu.memory_space<hbm>>, %arg3: memref<2x26624xf32, #tpu.memory_space<hbm>>, %arg4: memref<32x1024xi32, #tpu.memory_space<vmem>>, %arg5: memref<26624xf32, #tpu.memory_space<vmem>>, %arg6: memref<16x1664xf32, #tpu.memory_space<vmem>>, %arg7: memref<16x26624xf32, #tpu.memory_space<vmem_shared>>, %arg8: memref<!tpu.dma_semaphore, #tpu.memory_space<semaphore_mem>>) attributes {dimension_semantics = [#tpu.dimension_semantics<core_parallel>, #tpu.dimension_semantics<subcore_parallel>], iteration_bounds = array<i64: 2, 16>, scalar_prefetch = 0 : i64, scratch_operands = 5 : i64, tpu.core_type = #tpu.core_type<sc_vector_subcore>, window_params = [{transform_indices = #map}, {transform_indices = #map}]} {
    %mul3A = arith.constant 2 : i32
    %mul3A_0 = arith.muli %arg1, %mul3A : i32
    %add3A = arith.addi %mul3A_0, %arg0 : i32
    %mul3A_1 = arith.constant 125 : i32
    %mul3A_2 = arith.muli %add3A, %mul3A_1 : i32
    %jit3A = arith.constant 32 : i32
    %div3A = arith.divsi %mul3A_2, %jit3A : i32
    %sign3A = arith.constant 0 : i32
    %sign3A_3 = arith.cmpi sgt, %mul3A_2, %sign3A : i32
    %sign3A_4 = arith.extui %sign3A_3 : i1 to i32
    %sign3A_5 = arith.constant 0 : i32
    %sign3A_6 = arith.cmpi slt, %mul3A_2, %sign3A_5 : i32
    %sign3A_7 = arith.extui %sign3A_6 : i1 to i32
    %sign3A_8 = arith.subi %sign3A_4, %sign3A_7 : i32
    %sign3A_9 = arith.constant 0 : i32
    %sign3A_10 = arith.cmpi sgt, %jit3A, %sign3A_9 : i32
    %sign3A_11 = arith.extui %sign3A_10 : i1 to i32
    %sign3A_12 = arith.constant 0 : i32
    %sign3A_13 = arith.cmpi slt, %jit3A, %sign3A_12 : i32
    %sign3A_14 = arith.extui %sign3A_13 : i1 to i32
    %sign3A_15 = arith.subi %sign3A_11, %sign3A_14 : i32
    %ne3A = arith.cmpi ne, %sign3A_8, %sign3A_15 : i32
    %rem3A = arith.remsi %mul3A_2, %jit3A : i32
    %ne3A_16 = arith.constant 0 : i32
    %ne3A_17 = arith.cmpi ne, %rem3A, %ne3A_16 : i32
    %and3A = arith.andi %ne3A, %ne3A_17 : i1
    %sub3A = arith.constant 1 : i32
    %sub3A_18 = arith.subi %div3A, %sub3A : i32
    %select_n3A = arith.select %and3A, %sub3A_18, %div3A : i32
    %add3A_19 = arith.constant 1 : i32
    %add3A_20 = arith.addi %add3A, %add3A_19 : i32
    %mul3A_21 = arith.constant 125 : i32
    %mul3A_22 = arith.muli %add3A_20, %mul3A_21 : i32
    %jit3A_23 = arith.constant 32 : i32
    %div3A_24 = arith.divsi %mul3A_22, %jit3A_23 : i32
    %sign3A_25 = arith.constant 0 : i32
    %sign3A_26 = arith.cmpi sgt, %mul3A_22, %sign3A_25 : i32
    %sign3A_27 = arith.extui %sign3A_26 : i1 to i32
    %sign3A_28 = arith.constant 0 : i32
    %sign3A_29 = arith.cmpi slt, %mul3A_22, %sign3A_28 : i32
    %sign3A_30 = arith.extui %sign3A_29 : i1 to i32
    %sign3A_31 = arith.subi %sign3A_27, %sign3A_30 : i32
    %sign3A_32 = arith.constant 0 : i32
    %sign3A_33 = arith.cmpi sgt, %jit3A_23, %sign3A_32 : i32
    %sign3A_34 = arith.extui %sign3A_33 : i1 to i32
    %sign3A_35 = arith.constant 0 : i32
    %sign3A_36 = arith.cmpi slt, %jit3A_23, %sign3A_35 : i32
    %sign3A_37 = arith.extui %sign3A_36 : i1 to i32
    %sign3A_38 = arith.subi %sign3A_34, %sign3A_37 : i32
    %ne3A_39 = arith.cmpi ne, %sign3A_31, %sign3A_38 : i32
    %rem3A_40 = arith.remsi %mul3A_22, %jit3A_23 : i32
    %ne3A_41 = arith.constant 0 : i32
    %ne3A_42 = arith.cmpi ne, %rem3A_40, %ne3A_41 : i32
    %and3A_43 = arith.andi %ne3A_39, %ne3A_42 : i1
    %sub3A_44 = arith.constant 1 : i32
    %sub3A_45 = arith.subi %div3A_24, %sub3A_44 : i32
    %select_n3A_46 = arith.select %and3A_43, %sub3A_45, %div3A_24 : i32
    %sub3A_47 = arith.subi %select_n3A_46, %select_n3A : i32
    %add3A_48 = arith.constant 0 : i32
    %add3A_49 = arith.addi %select_n3A, %add3A_48 : i32
    %mul3A_50 = arith.constant 8 : i32
    %mul3A_51 = arith.muli %add3A_49, %mul3A_50 : i32
    %dma_start3A = arith.constant 0 : i32
    %dma_start3A_52 = arith.constant 0 : i32
    %dma_start3A_53 = tpu.memref_slice %arg4[%dma_start3A, %dma_start3A_52] : memref<32x1024xi32, #tpu.memory_space<vmem>> -> memref<8x1024xi32, #tpu.memory_space<vmem>>
    %dma_start3A_54 = arith.constant 0 : i32
    %dma_start3A_55 = tpu.memref_slice %arg2[%mul3A_51, %dma_start3A_54] : memref<1000x1024xi32, #tpu.memory_space<hbm>> -> memref<8x1024xi32, #tpu.memory_space<hbm>>
    %dma_start3A_56 = arith.constant 0 : i32
    %dma_start3A_57 = arith.constant 0 : i32
    %dma_start3A_58 = tpu.memref_slice %arg4[%dma_start3A_56, %dma_start3A_57] : memref<32x1024xi32, #tpu.memory_space<vmem>> -> memref<8x1024xi32, #tpu.memory_space<vmem>>
    %dma_start3A_59 = arith.constant 0 : i32
    %dma_start3A_60 = tpu.memref_slice %arg2[%mul3A_51, %dma_start3A_59] : memref<1000x1024xi32, #tpu.memory_space<hbm>> -> memref<8x1024xi32, #tpu.memory_space<hbm>>
    tpu.enqueue_dma source(%dma_start3A_60 : memref<8x1024xi32, #tpu.memory_space<hbm>>) target(%dma_start3A_58 : memref<8x1024xi32, #tpu.memory_space<vmem>>) target_semaphore(%arg8 : memref<!tpu.dma_semaphore, #tpu.memory_space<semaphore_mem>>)
    %add3A_61 = arith.constant 1 : i32
    %add3A_62 = arith.addi %select_n3A, %add3A_61 : i32
    %mul3A_63 = arith.constant 8 : i32
    %mul3A_64 = arith.muli %add3A_62, %mul3A_63 : i32
    %dma_start3A_65 = arith.constant 8 : i32
    %dma_start3A_66 = arith.constant 0 : i32
    %dma_start3A_67 = tpu.memref_slice %arg4[%dma_start3A_65, %dma_start3A_66] : memref<32x1024xi32, #tpu.memory_space<vmem>> -> memref<8x1024xi32, #tpu.memory_space<vmem>>
    %dma_start3A_68 = arith.constant 0 : i32
    %dma_start3A_69 = tpu.memref_slice %arg2[%mul3A_64, %dma_start3A_68] : memref<1000x1024xi32, #tpu.memory_space<hbm>> -> memref<8x1024xi32, #tpu.memory_space<hbm>>
    %dma_start3A_70 = arith.constant 8 : i32
    %dma_start3A_71 = arith.constant 0 : i32
    %dma_start3A_72 = tpu.memref_slice %arg4[%dma_start3A_70, %dma_start3A_71] : memref<32x1024xi32, #tpu.memory_space<vmem>> -> memref<8x1024xi32, #tpu.memory_space<vmem>>
    %dma_start3A_73 = arith.constant 0 : i32
    %dma_start3A_74 = tpu.memref_slice %arg2[%mul3A_64, %dma_start3A_73] : memref<1000x1024xi32, #tpu.memory_space<hbm>> -> memref<8x1024xi32, #tpu.memory_space<hbm>>
    tpu.enqueue_dma source(%dma_start3A_74 : memref<8x1024xi32, #tpu.memory_space<hbm>>) target(%dma_start3A_72 : memref<8x1024xi32, #tpu.memory_space<vmem>>) target_semaphore(%arg8 : memref<!tpu.dma_semaphore, #tpu.memory_space<semaphore_mem>>)
    %add3A_75 = arith.constant 2 : i32
    %add3A_76 = arith.addi %select_n3A, %add3A_75 : i32
    %mul3A_77 = arith.constant 8 : i32
    %mul3A_78 = arith.muli %add3A_76, %mul3A_77 : i32
    %dma_start3A_79 = arith.constant 16 : i32
    %dma_start3A_80 = arith.constant 0 : i32
    %dma_start3A_81 = tpu.memref_slice %arg4[%dma_start3A_79, %dma_start3A_80] : memref<32x1024xi32, #tpu.memory_space<vmem>> -> memref<8x1024xi32, #tpu.memory_space<vmem>>
    %dma_start3A_82 = arith.constant 0 : i32
    %dma_start3A_83 = tpu.memref_slice %arg2[%mul3A_78, %dma_start3A_82] : memref<1000x1024xi32, #tpu.memory_space<hbm>> -> memref<8x1024xi32, #tpu.memory_space<hbm>>
    %dma_start3A_84 = arith.constant 16 : i32
    %dma_start3A_85 = arith.constant 0 : i32
    %dma_start3A_86 = tpu.memref_slice %arg4[%dma_start3A_84, %dma_start3A_85] : memref<32x1024xi32, #tpu.memory_space<vmem>> -> memref<8x1024xi32, #tpu.memory_space<vmem>>
    %dma_start3A_87 = arith.constant 0 : i32
    %dma_start3A_88 = tpu.memref_slice %arg2[%mul3A_78, %dma_start3A_87] : memref<1000x1024xi32, #tpu.memory_space<hbm>> -> memref<8x1024xi32, #tpu.memory_space<hbm>>
    tpu.enqueue_dma source(%dma_start3A_88 : memref<8x1024xi32, #tpu.memory_space<hbm>>) target(%dma_start3A_86 : memref<8x1024xi32, #tpu.memory_space<vmem>>) target_semaphore(%arg8 : memref<!tpu.dma_semaphore, #tpu.memory_space<semaphore_mem>>)
    %eq3A = arith.constant 4 : i32
    %eq3A_89 = arith.cmpi eq, %sub3A_47, %eq3A : i32
    %convert_element_type3A = arith.extui %eq3A_89 : i1 to i32
    %cond3A = arith.constant 0 : i32
    %cond3A_90 = arith.cmpi ne, %convert_element_type3A, %cond3A : i32
    scf.if %cond3A_90 {
      %add3A_139 = arith.constant 3 : i32
      %add3A_140 = arith.addi %select_n3A, %add3A_139 : i32
      %mul3A_141 = arith.constant 8 : i32
      %mul3A_142 = arith.muli %add3A_140, %mul3A_141 : i32
      %dma_start3A_143 = arith.constant 24 : i32
      %dma_start3A_144 = arith.constant 0 : i32
      %dma_start3A_145 = tpu.memref_slice %arg4[%dma_start3A_143, %dma_start3A_144] : memref<32x1024xi32, #tpu.memory_space<vmem>> -> memref<8x1024xi32, #tpu.memory_space<vmem>>
      %dma_start3A_146 = arith.constant 0 : i32
      %dma_start3A_147 = tpu.memref_slice %arg2[%mul3A_142, %dma_start3A_146] : memref<1000x1024xi32, #tpu.memory_space<hbm>> -> memref<8x1024xi32, #tpu.memory_space<hbm>>
      %dma_start3A_148 = arith.constant 24 : i32
      %dma_start3A_149 = arith.constant 0 : i32
      %dma_start3A_150 = tpu.memref_slice %arg4[%dma_start3A_148, %dma_start3A_149] : memref<32x1024xi32, #tpu.memory_space<vmem>> -> memref<8x1024xi32, #tpu.memory_space<vmem>>
      %dma_start3A_151 = arith.constant 0 : i32
      %dma_start3A_152 = tpu.memref_slice %arg2[%mul3A_142, %dma_start3A_151] : memref<1000x1024xi32, #tpu.memory_space<hbm>> -> memref<8x1024xi32, #tpu.memory_space<hbm>>
      tpu.enqueue_dma source(%dma_start3A_152 : memref<8x1024xi32, #tpu.memory_space<hbm>>) target(%dma_start3A_150 : memref<8x1024xi32, #tpu.memory_space<vmem>>) target_semaphore(%arg8 : memref<!tpu.dma_semaphore, #tpu.memory_space<semaphore_mem>>)
    } else {
    }
    %broadcast_in_dim3A = arith.constant 0.000000e+00 : f32
    %broadcast_in_dim3A_91 = vector.broadcast %broadcast_in_dim3A : f32 to vector<16xf32>
    %parallel_loop3A = arith.constant 0 : i32
    %parallel_loop3A_92 = arith.constant 1664 : i32
    %parallel_loop3A_93 = arith.constant 1 : i32
    scf.for %parallel_loop3A_139 = %parallel_loop3A to %parallel_loop3A_92 step %parallel_loop3A_93  : i32 {
      %parallel_loop3A_140 = arith.constant 16 : i32
      %parallel_loop3A_141 = arith.muli %parallel_loop3A_139, %parallel_loop3A_140 : i32
      %parallel_loop3A_142 = arith.index_cast %parallel_loop3A_141 : i32 to index
      %parallel_loop3A_143 = tpu.vector_load %arg5[%parallel_loop3A_142] {strides = array<i32>} : memref<26624xf32, #tpu.memory_space<vmem>>, vector<16xf32>,
      tpu.vector_store %arg5[%parallel_loop3A_142], %broadcast_in_dim3A_91 {strides = array<i32>} : memref<26624xf32, #tpu.memory_space<vmem>>, vector<16xf32>,
    } {sc.loop_unroll_factor = 8 : i64, sc.parallel_access}
    %dma_wait3A = arith.constant 0 : i32
    %dma_wait3A_94 = arith.constant 0 : i32
    %dma_wait3A_95 = tpu.memref_slice %arg4[%dma_wait3A, %dma_wait3A_94] : memref<32x1024xi32, #tpu.memory_space<vmem>> -> memref<8x1024xi32, #tpu.memory_space<vmem>>
    %dma_wait3A_96 = arith.constant 0 : i32
    %dma_wait3A_97 = tpu.memref_slice %arg2[%mul3A_51, %dma_wait3A_96] : memref<1000x1024xi32, #tpu.memory_space<hbm>> -> memref<8x1024xi32, #tpu.memory_space<hbm>>
    %dma_wait3A_98 = arith.constant 0 : i32
    %dma_wait3A_99 = arith.constant 0 : i32
    %dma_wait3A_100 = tpu.memref_slice %arg4[%dma_wait3A_98, %dma_wait3A_99] : memref<32x1024xi32, #tpu.memory_space<vmem>> -> memref<8x1024xi32, #tpu.memory_space<vmem>>
    %dma_wait3A_101 = arith.constant 0 : i32
    %dma_wait3A_102 = tpu.memref_slice %arg2[%mul3A_51, %dma_wait3A_101] : memref<1000x1024xi32, #tpu.memory_space<hbm>> -> memref<8x1024xi32, #tpu.memory_space<hbm>>
    tpu.wait_dma2 semaphore(%arg8 : memref<!tpu.dma_semaphore, #tpu.memory_space<semaphore_mem>>) src(%dma_wait3A_102 : memref<8x1024xi32, #tpu.memory_space<hbm>>) dst(%dma_wait3A_100 : memref<8x1024xi32, #tpu.memory_space<vmem>>)
    %dma_wait3A_103 = arith.constant 8 : i32
    %dma_wait3A_104 = arith.constant 0 : i32
    %dma_wait3A_105 = tpu.memref_slice %arg4[%dma_wait3A_103, %dma_wait3A_104] : memref<32x1024xi32, #tpu.memory_space<vmem>> -> memref<8x1024xi32, #tpu.memory_space<vmem>>
    %dma_wait3A_106 = arith.constant 0 : i32
    %dma_wait3A_107 = tpu.memref_slice %arg2[%mul3A_64, %dma_wait3A_106] : memref<1000x1024xi32, #tpu.memory_space<hbm>> -> memref<8x1024xi32, #tpu.memory_space<hbm>>
    %dma_wait3A_108 = arith.constant 8 : i32
    %dma_wait3A_109 = arith.constant 0 : i32
    %dma_wait3A_110 = tpu.memref_slice %arg4[%dma_wait3A_108, %dma_wait3A_109] : memref<32x1024xi32, #tpu.memory_space<vmem>> -> memref<8x1024xi32, #tpu.memory_space<vmem>>
    %dma_wait3A_111 = arith.constant 0 : i32
    %dma_wait3A_112 = tpu.memref_slice %arg2[%mul3A_64, %dma_wait3A_111] : memref<1000x1024xi32, #tpu.memory_space<hbm>> -> memref<8x1024xi32, #tpu.memory_space<hbm>>
    tpu.wait_dma2 semaphore(%arg8 : memref<!tpu.dma_semaphore, #tpu.memory_space<semaphore_mem>>) src(%dma_wait3A_112 : memref<8x1024xi32, #tpu.memory_space<hbm>>) dst(%dma_wait3A_110 : memref<8x1024xi32, #tpu.memory_space<vmem>>)
    %dma_wait3A_113 = arith.constant 16 : i32
    %dma_wait3A_114 = arith.constant 0 : i32
    %dma_wait3A_115 = tpu.memref_slice %arg4[%dma_wait3A_113, %dma_wait3A_114] : memref<32x1024xi32, #tpu.memory_space<vmem>> -> memref<8x1024xi32, #tpu.memory_space<vmem>>
    %dma_wait3A_116 = arith.constant 0 : i32
    %dma_wait3A_117 = tpu.memref_slice %arg2[%mul3A_78, %dma_wait3A_116] : memref<1000x1024xi32, #tpu.memory_space<hbm>> -> memref<8x1024xi32, #tpu.memory_space<hbm>>
    %dma_wait3A_118 = arith.constant 16 : i32
    %dma_wait3A_119 = arith.constant 0 : i32
    %dma_wait3A_120 = tpu.memref_slice %arg4[%dma_wait3A_118, %dma_wait3A_119] : memref<32x1024xi32, #tpu.memory_space<vmem>> -> memref<8x1024xi32, #tpu.memory_space<vmem>>
    %dma_wait3A_121 = arith.constant 0 : i32
    %dma_wait3A_122 = tpu.memref_slice %arg2[%mul3A_78, %dma_wait3A_121] : memref<1000x1024xi32, #tpu.memory_space<hbm>> -> memref<8x1024xi32, #tpu.memory_space<hbm>>
    tpu.wait_dma2 semaphore(%arg8 : memref<!tpu.dma_semaphore, #tpu.memory_space<semaphore_mem>>) src(%dma_wait3A_122 : memref<8x1024xi32, #tpu.memory_space<hbm>>) dst(%dma_wait3A_120 : memref<8x1024xi32, #tpu.memory_space<vmem>>)
    %eq3A_123 = arith.constant 4 : i32
    %eq3A_124 = arith.cmpi eq, %sub3A_47, %eq3A_123 : i32
    %convert_element_type3A_125 = arith.extui %eq3A_124 : i1 to i32
    %cond3A_126 = arith.constant 0 : i32
    %cond3A_127 = arith.cmpi ne, %convert_element_type3A_125, %cond3A_126 : i32
    scf.if %cond3A_127 {
      %add3A_139 = arith.constant 3 : i32
      %add3A_140 = arith.addi %select_n3A, %add3A_139 : i32
      %mul3A_141 = arith.constant 8 : i32
      %mul3A_142 = arith.muli %add3A_140, %mul3A_141 : i32
      %dma_wait3A_143 = arith.constant 24 : i32
      %dma_wait3A_144 = arith.constant 0 : i32
      %dma_wait3A_145 = tpu.memref_slice %arg4[%dma_wait3A_143, %dma_wait3A_144] : memref<32x1024xi32, #tpu.memory_space<vmem>> -> memref<8x1024xi32, #tpu.memory_space<vmem>>
      %dma_wait3A_146 = arith.constant 0 : i32
      %dma_wait3A_147 = tpu.memref_slice %arg2[%mul3A_142, %dma_wait3A_146] : memref<1000x1024xi32, #tpu.memory_space<hbm>> -> memref<8x1024xi32, #tpu.memory_space<hbm>>
      %dma_wait3A_148 = arith.constant 24 : i32
      %dma_wait3A_149 = arith.constant 0 : i32
      %dma_wait3A_150 = tpu.memref_slice %arg4[%dma_wait3A_148, %dma_wait3A_149] : memref<32x1024xi32, #tpu.memory_space<vmem>> -> memref<8x1024xi32, #tpu.memory_space<vmem>>
      %dma_wait3A_151 = arith.constant 0 : i32
      %dma_wait3A_152 = tpu.memref_slice %arg2[%mul3A_142, %dma_wait3A_151] : memref<1000x1024xi32, #tpu.memory_space<hbm>> -> memref<8x1024xi32, #tpu.memory_space<hbm>>
      tpu.wait_dma2 semaphore(%arg8 : memref<!tpu.dma_semaphore, #tpu.memory_space<semaphore_mem>>) src(%dma_wait3A_152 : memref<8x1024xi32, #tpu.memory_space<hbm>>) dst(%dma_wait3A_150 : memref<8x1024xi32, #tpu.memory_space<vmem>>)
    } else {
    }
    %broadcast_in_dim3A_128 = arith.constant 1.000000e+00 : f32
    %broadcast_in_dim3A_129 = vector.broadcast %broadcast_in_dim3A_128 : f32 to vector<16xf32>
    %mul3A_130 = arith.constant 512 : i32
    %mul3A_131 = arith.muli %sub3A_47, %mul3A_130 : i32
    %parallel_loop3A_132 = arith.constant 0 : i32
    %parallel_loop3A_133 = arith.constant 1 : i32
    scf.for %parallel_loop3A_139 = %parallel_loop3A_132 to %mul3A_131 step %parallel_loop3A_133  : i32 {
      %parallel_loop3A_140 = arith.constant 6 : i32
      %parallel_loop3A_141 = arith.shrsi %parallel_loop3A_139, %parallel_loop3A_140 : i32
      %parallel_loop3A_142 = arith.constant 63 : i32
      %parallel_loop3A_143 = arith.andi %parallel_loop3A_139, %parallel_loop3A_142 : i32
      %parallel_loop3A_144 = arith.constant 16 : i32
      %parallel_loop3A_145 = arith.muli %parallel_loop3A_143, %parallel_loop3A_144 : i32
      %parallel_loop3A_146 = arith.index_cast %parallel_loop3A_141 : i32 to index
      %parallel_loop3A_147 = arith.index_cast %parallel_loop3A_145 : i32 to index
      %parallel_loop3A_148 = tpu.vector_load %arg4[%parallel_loop3A_146, %parallel_loop3A_147] {strides = array<i32>} : memref<32x1024xi32, #tpu.memory_space<vmem>>, vector<16xi32>,
      %parallel_loop3A_149 = arith.constant 20000 : i32
      %parallel_loop3A_150 = vector.broadcast %parallel_loop3A_149 : i32 to vector<16xi32>
      %parallel_loop3A_151 = arith.cmpi sge, %parallel_loop3A_148, %parallel_loop3A_150 : vector<16xi32>
      %parallel_loop3A_152 = arith.constant 96 : i32
      %parallel_loop3A_153 = vector.broadcast %parallel_loop3A_152 : i32 to vector<16xi32>
      %parallel_loop3A_154 = arith.addi %parallel_loop3A_148, %parallel_loop3A_153 : vector<16xi32>
      %parallel_loop3A_155 = arith.select %parallel_loop3A_151, %parallel_loop3A_154, %parallel_loop3A_148 : vector<16xi1>, vector<16xi32>
      tpu.vector_store_idx %arg5[%parallel_loop3A_155], %broadcast_in_dim3A_129 {add = true} : memref<26624xf32, #tpu.memory_space<vmem>>[vector<16xi32>], vector<16xf32>,
    } {sc.loop_unroll_factor = 8 : i64, sc.parallel_access}
    "tpu.region"() ({
      %run_scoped3A = tpu.sem_alloc : memref<!tpu.dma_semaphore, #tpu.memory_space<semaphore_mem>>
      %dma_start3A_139 = arith.constant 0 : i32
      %dma_start3A_140 = tpu.memref_slice %arg7[%arg1, %dma_start3A_139] : memref<16x26624xf32, #tpu.memory_space<vmem_shared>> -> memref<1x26624xf32, #tpu.memory_space<vmem_shared>>
      %dma_start3A_141 = tpu.memref_squeeze %dma_start3A_140 : memref<1x26624xf32, #tpu.memory_space<vmem_shared>> -> memref<26624xf32, #tpu.memory_space<vmem_shared>>
      %dma_start3A_142 = arith.constant 0 : i32
      %dma_start3A_143 = tpu.memref_slice %arg7[%arg1, %dma_start3A_142] : memref<16x26624xf32, #tpu.memory_space<vmem_shared>> -> memref<1x26624xf32, #tpu.memory_space<vmem_shared>>
      %dma_start3A_144 = tpu.memref_squeeze %dma_start3A_143 : memref<1x26624xf32, #tpu.memory_space<vmem_shared>> -> memref<26624xf32, #tpu.memory_space<vmem_shared>>
      tpu.enqueue_dma source(%arg5 : memref<26624xf32, #tpu.memory_space<vmem>>) target(%dma_start3A_144 : memref<26624xf32, #tpu.memory_space<vmem_shared>>) target_semaphore(%run_scoped3A : memref<!tpu.dma_semaphore, #tpu.memory_space<semaphore_mem>>)
      %dma_wait3A_145 = arith.constant 0 : i32
      %dma_wait3A_146 = tpu.memref_slice %arg7[%arg1, %dma_wait3A_145] : memref<16x26624xf32, #tpu.memory_space<vmem_shared>> -> memref<1x26624xf32, #tpu.memory_space<vmem_shared>>
      %dma_wait3A_147 = tpu.memref_squeeze %dma_wait3A_146 : memref<1x26624xf32, #tpu.memory_space<vmem_shared>> -> memref<26624xf32, #tpu.memory_space<vmem_shared>>
      %dma_wait3A_148 = arith.constant 0 : i32
      %dma_wait3A_149 = tpu.memref_slice %arg7[%arg1, %dma_wait3A_148] : memref<16x26624xf32, #tpu.memory_space<vmem_shared>> -> memref<1x26624xf32, #tpu.memory_space<vmem_shared>>
      %dma_wait3A_150 = tpu.memref_squeeze %dma_wait3A_149 : memref<1x26624xf32, #tpu.memory_space<vmem_shared>> -> memref<26624xf32, #tpu.memory_space<vmem_shared>>
      tpu.wait_dma2 semaphore(%run_scoped3A : memref<!tpu.dma_semaphore, #tpu.memory_space<semaphore_mem>>) src(%arg5 : memref<26624xf32, #tpu.memory_space<vmem>>) dst(%dma_wait3A_150 : memref<26624xf32, #tpu.memory_space<vmem_shared>>)
      tpu.yield
    }) : () -> ()
    %barrier3A = arith.constant 0 : index
    tpu.barrier barrier_id(%barrier3A)
    %mul3A_134 = arith.constant 1664 : i32
    %mul3A_135 = arith.muli %arg1, %mul3A_134 : i32
    "tpu.region"() ({
      %run_scoped3A = tpu.sem_alloc : memref<!tpu.dma_semaphore, #tpu.memory_space<semaphore_mem>>
      %dma_start3A_139 = arith.constant 0 : i32
      %dma_start3A_140 = tpu.memref_slice %arg7[%dma_start3A_139, %mul3A_135] : memref<16x26624xf32, #tpu.memory_space<vmem_shared>> -> memref<16x1664xf32, #tpu.memory_space<vmem_shared>>
      %dma_start3A_141 = arith.constant 0 : i32
      %dma_start3A_142 = tpu.memref_slice %arg7[%dma_start3A_141, %mul3A_135] : memref<16x26624xf32, #tpu.memory_space<vmem_shared>> -> memref<16x1664xf32, #tpu.memory_space<vmem_shared>>
      tpu.enqueue_dma source(%dma_start3A_142 : memref<16x1664xf32, #tpu.memory_space<vmem_shared>>) target(%arg6 : memref<16x1664xf32, #tpu.memory_space<vmem>>) target_semaphore(%run_scoped3A : memref<!tpu.dma_semaphore, #tpu.memory_space<semaphore_mem>>)
      %dma_wait3A_143 = arith.constant 0 : i32
      %dma_wait3A_144 = tpu.memref_slice %arg7[%dma_wait3A_143, %mul3A_135] : memref<16x26624xf32, #tpu.memory_space<vmem_shared>> -> memref<16x1664xf32, #tpu.memory_space<vmem_shared>>
      %dma_wait3A_145 = arith.constant 0 : i32
      %dma_wait3A_146 = tpu.memref_slice %arg7[%dma_wait3A_145, %mul3A_135] : memref<16x26624xf32, #tpu.memory_space<vmem_shared>> -> memref<16x1664xf32, #tpu.memory_space<vmem_shared>>
      tpu.wait_dma2 semaphore(%run_scoped3A : memref<!tpu.dma_semaphore, #tpu.memory_space<semaphore_mem>>) src(%dma_wait3A_146 : memref<16x1664xf32, #tpu.memory_space<vmem_shared>>) dst(%arg6 : memref<16x1664xf32, #tpu.memory_space<vmem>>)
      tpu.yield
    }) : () -> ()
    %parallel_loop3A_136 = arith.constant 0 : i32
    %parallel_loop3A_137 = arith.constant 104 : i32
    %parallel_loop3A_138 = arith.constant 1 : i32
    scf.for %parallel_loop3A_139 = %parallel_loop3A_136 to %parallel_loop3A_137 step %parallel_loop3A_138  : i32 {
      %parallel_loop3A_140 = arith.constant 16 : i32
      %parallel_loop3A_141 = arith.muli %parallel_loop3A_139, %parallel_loop3A_140 : i32
      %parallel_loop3A_142 = arith.constant 0 : i32
      %parallel_loop3A_143 = arith.index_cast %parallel_loop3A_142 : i32 to index
      %parallel_loop3A_144 = arith.index_cast %parallel_loop3A_141 : i32 to index
      %parallel_loop3A_145 = tpu.vector_load %arg6[%parallel_loop3A_143, %parallel_loop3A_144] {strides = array<i32>} : memref<16x1664xf32, #tpu.memory_space<vmem>>, vector<16xf32>,
      %parallel_loop3A_146 = arith.constant 16 : i32
      %parallel_loop3A_147 = arith.muli %parallel_loop3A_139, %parallel_loop3A_146 : i32
      %parallel_loop3A_148 = arith.constant 1 : i32
      %parallel_loop3A_149 = arith.index_cast %parallel_loop3A_148 : i32 to index
      %parallel_loop3A_150 = arith.index_cast %parallel_loop3A_147 : i32 to index
      %parallel_loop3A_151 = tpu.vector_load %arg6[%parallel_loop3A_149, %parallel_loop3A_150] {strides = array<i32>} : memref<16x1664xf32, #tpu.memory_space<vmem>>, vector<16xf32>,
      %parallel_loop3A_152 = arith.addf %parallel_loop3A_145, %parallel_loop3A_151 : vector<16xf32>
      %parallel_loop3A_153 = arith.constant 16 : i32
      %parallel_loop3A_154 = arith.muli %parallel_loop3A_139, %parallel_loop3A_153 : i32
      %parallel_loop3A_155 = arith.constant 2 : i32
      %parallel_loop3A_156 = arith.index_cast %parallel_loop3A_155 : i32 to index
      %parallel_loop3A_157 = arith.index_cast %parallel_loop3A_154 : i32 to index
      %parallel_loop3A_158 = tpu.vector_load %arg6[%parallel_loop3A_156, %parallel_loop3A_157] {strides = array<i32>} : memref<16x1664xf32, #tpu.memory_space<vmem>>, vector<16xf32>,
      %parallel_loop3A_159 = arith.addf %parallel_loop3A_152, %parallel_loop3A_158 : vector<16xf32>
      %parallel_loop3A_160 = arith.constant 16 : i32
      %parallel_loop3A_161 = arith.muli %parallel_loop3A_139, %parallel_loop3A_160 : i32
      %parallel_loop3A_162 = arith.constant 3 : i32
      %parallel_loop3A_163 = arith.index_cast %parallel_loop3A_162 : i32 to index
      %parallel_loop3A_164 = arith.index_cast %parallel_loop3A_161 : i32 to index
      %parallel_loop3A_165 = tpu.vector_load %arg6[%parallel_loop3A_163, %parallel_loop3A_164] {strides = array<i32>} : memref<16x1664xf32, #tpu.memory_space<vmem>>, vector<16xf32>,
      %parallel_loop3A_166 = arith.addf %parallel_loop3A_159, %parallel_loop3A_165 : vector<16xf32>
      %parallel_loop3A_167 = arith.constant 16 : i32
      %parallel_loop3A_168 = arith.muli %parallel_loop3A_139, %parallel_loop3A_167 : i32
      %parallel_loop3A_169 = arith.constant 4 : i32
      %parallel_loop3A_170 = arith.index_cast %parallel_loop3A_169 : i32 to index
      %parallel_loop3A_171 = arith.index_cast %parallel_loop3A_168 : i32 to index
      %parallel_loop3A_172 = tpu.vector_load %arg6[%parallel_loop3A_170, %parallel_loop3A_171] {strides = array<i32>} : memref<16x1664xf32, #tpu.memory_space<vmem>>, vector<16xf32>,
      %parallel_loop3A_173 = arith.addf %parallel_loop3A_166, %parallel_loop3A_172 : vector<16xf32>
      %parallel_loop3A_174 = arith.constant 16 : i32
      %parallel_loop3A_175 = arith.muli %parallel_loop3A_139, %parallel_loop3A_174 : i32
      %parallel_loop3A_176 = arith.constant 5 : i32
      %parallel_loop3A_177 = arith.index_cast %parallel_loop3A_176 : i32 to index
      %parallel_loop3A_178 = arith.index_cast %parallel_loop3A_175 : i32 to index
      %parallel_loop3A_179 = tpu.vector_load %arg6[%parallel_loop3A_177, %parallel_loop3A_178] {strides = array<i32>} : memref<16x1664xf32, #tpu.memory_space<vmem>>, vector<16xf32>,
      %parallel_loop3A_180 = arith.addf %parallel_loop3A_173, %parallel_loop3A_179 : vector<16xf32>
      %parallel_loop3A_181 = arith.constant 16 : i32
      %parallel_loop3A_182 = arith.muli %parallel_loop3A_139, %parallel_loop3A_181 : i32
      %parallel_loop3A_183 = arith.constant 6 : i32
      %parallel_loop3A_184 = arith.index_cast %parallel_loop3A_183 : i32 to index
      %parallel_loop3A_185 = arith.index_cast %parallel_loop3A_182 : i32 to index
      %parallel_loop3A_186 = tpu.vector_load %arg6[%parallel_loop3A_184, %parallel_loop3A_185] {strides = array<i32>} : memref<16x1664xf32, #tpu.memory_space<vmem>>, vector<16xf32>,
      %parallel_loop3A_187 = arith.addf %parallel_loop3A_180, %parallel_loop3A_186 : vector<16xf32>
      %parallel_loop3A_188 = arith.constant 16 : i32
      %parallel_loop3A_189 = arith.muli %parallel_loop3A_139, %parallel_loop3A_188 : i32
      %parallel_loop3A_190 = arith.constant 7 : i32
      %parallel_loop3A_191 = arith.index_cast %parallel_loop3A_190 : i32 to index
      %parallel_loop3A_192 = arith.index_cast %parallel_loop3A_189 : i32 to index
      %parallel_loop3A_193 = tpu.vector_load %arg6[%parallel_loop3A_191, %parallel_loop3A_192] {strides = array<i32>} : memref<16x1664xf32, #tpu.memory_space<vmem>>, vector<16xf32>,
      %parallel_loop3A_194 = arith.addf %parallel_loop3A_187, %parallel_loop3A_193 : vector<16xf32>
      %parallel_loop3A_195 = arith.constant 16 : i32
      %parallel_loop3A_196 = arith.muli %parallel_loop3A_139, %parallel_loop3A_195 : i32
      %parallel_loop3A_197 = arith.constant 8 : i32
      %parallel_loop3A_198 = arith.index_cast %parallel_loop3A_197 : i32 to index
      %parallel_loop3A_199 = arith.index_cast %parallel_loop3A_196 : i32 to index
      %parallel_loop3A_200 = tpu.vector_load %arg6[%parallel_loop3A_198, %parallel_loop3A_199] {strides = array<i32>} : memref<16x1664xf32, #tpu.memory_space<vmem>>, vector<16xf32>,
      %parallel_loop3A_201 = arith.addf %parallel_loop3A_194, %parallel_loop3A_200 : vector<16xf32>
      %parallel_loop3A_202 = arith.constant 16 : i32
      %parallel_loop3A_203 = arith.muli %parallel_loop3A_139, %parallel_loop3A_202 : i32
      %parallel_loop3A_204 = arith.constant 9 : i32
      %parallel_loop3A_205 = arith.index_cast %parallel_loop3A_204 : i32 to index
      %parallel_loop3A_206 = arith.index_cast %parallel_loop3A_203 : i32 to index
      %parallel_loop3A_207 = tpu.vector_load %arg6[%parallel_loop3A_205, %parallel_loop3A_206] {strides = array<i32>} : memref<16x1664xf32, #tpu.memory_space<vmem>>, vector<16xf32>,
      %parallel_loop3A_208 = arith.addf %parallel_loop3A_201, %parallel_loop3A_207 : vector<16xf32>
      %parallel_loop3A_209 = arith.constant 16 : i32
      %parallel_loop3A_210 = arith.muli %parallel_loop3A_139, %parallel_loop3A_209 : i32
      %parallel_loop3A_211 = arith.constant 10 : i32
      %parallel_loop3A_212 = arith.index_cast %parallel_loop3A_211 : i32 to index
      %parallel_loop3A_213 = arith.index_cast %parallel_loop3A_210 : i32 to index
      %parallel_loop3A_214 = tpu.vector_load %arg6[%parallel_loop3A_212, %parallel_loop3A_213] {strides = array<i32>} : memref<16x1664xf32, #tpu.memory_space<vmem>>, vector<16xf32>,
      %parallel_loop3A_215 = arith.addf %parallel_loop3A_208, %parallel_loop3A_214 : vector<16xf32>
      %parallel_loop3A_216 = arith.constant 16 : i32
      %parallel_loop3A_217 = arith.muli %parallel_loop3A_139, %parallel_loop3A_216 : i32
      %parallel_loop3A_218 = arith.constant 11 : i32
      %parallel_loop3A_219 = arith.index_cast %parallel_loop3A_218 : i32 to index
      %parallel_loop3A_220 = arith.index_cast %parallel_loop3A_217 : i32 to index
      %parallel_loop3A_221 = tpu.vector_load %arg6[%parallel_loop3A_219, %parallel_loop3A_220] {strides = array<i32>} : memref<16x1664xf32, #tpu.memory_space<vmem>>, vector<16xf32>,
      %parallel_loop3A_222 = arith.addf %parallel_loop3A_215, %parallel_loop3A_221 : vector<16xf32>
      %parallel_loop3A_223 = arith.constant 16 : i32
      %parallel_loop3A_224 = arith.muli %parallel_loop3A_139, %parallel_loop3A_223 : i32
      %parallel_loop3A_225 = arith.constant 12 : i32
      %parallel_loop3A_226 = arith.index_cast %parallel_loop3A_225 : i32 to index
      %parallel_loop3A_227 = arith.index_cast %parallel_loop3A_224 : i32 to index
      %parallel_loop3A_228 = tpu.vector_load %arg6[%parallel_loop3A_226, %parallel_loop3A_227] {strides = array<i32>} : memref<16x1664xf32, #tpu.memory_space<vmem>>, vector<16xf32>,
      %parallel_loop3A_229 = arith.addf %parallel_loop3A_222, %parallel_loop3A_228 : vector<16xf32>
      %parallel_loop3A_230 = arith.constant 16 : i32
      %parallel_loop3A_231 = arith.muli %parallel_loop3A_139, %parallel_loop3A_230 : i32
      %parallel_loop3A_232 = arith.constant 13 : i32
      %parallel_loop3A_233 = arith.index_cast %parallel_loop3A_232 : i32 to index
      %parallel_loop3A_234 = arith.index_cast %parallel_loop3A_231 : i32 to index
      %parallel_loop3A_235 = tpu.vector_load %arg6[%parallel_loop3A_233, %parallel_loop3A_234] {strides = array<i32>} : memref<16x1664xf32, #tpu.memory_space<vmem>>, vector<16xf32>,
      %parallel_loop3A_236 = arith.addf %parallel_loop3A_229, %parallel_loop3A_235 : vector<16xf32>
      %parallel_loop3A_237 = arith.constant 16 : i32
      %parallel_loop3A_238 = arith.muli %parallel_loop3A_139, %parallel_loop3A_237 : i32
      %parallel_loop3A_239 = arith.constant 14 : i32
      %parallel_loop3A_240 = arith.index_cast %parallel_loop3A_239 : i32 to index
      %parallel_loop3A_241 = arith.index_cast %parallel_loop3A_238 : i32 to index
      %parallel_loop3A_242 = tpu.vector_load %arg6[%parallel_loop3A_240, %parallel_loop3A_241] {strides = array<i32>} : memref<16x1664xf32, #tpu.memory_space<vmem>>, vector<16xf32>,
      %parallel_loop3A_243 = arith.addf %parallel_loop3A_236, %parallel_loop3A_242 : vector<16xf32>
      %parallel_loop3A_244 = arith.constant 16 : i32
      %parallel_loop3A_245 = arith.muli %parallel_loop3A_139, %parallel_loop3A_244 : i32
      %parallel_loop3A_246 = arith.constant 15 : i32
      %parallel_loop3A_247 = arith.index_cast %parallel_loop3A_246 : i32 to index
      %parallel_loop3A_248 = arith.index_cast %parallel_loop3A_245 : i32 to index
      %parallel_loop3A_249 = tpu.vector_load %arg6[%parallel_loop3A_247, %parallel_loop3A_248] {strides = array<i32>} : memref<16x1664xf32, #tpu.memory_space<vmem>>, vector<16xf32>,
      %parallel_loop3A_250 = arith.addf %parallel_loop3A_243, %parallel_loop3A_249 : vector<16xf32>
      %parallel_loop3A_251 = arith.constant 16 : i32
      %parallel_loop3A_252 = arith.muli %parallel_loop3A_139, %parallel_loop3A_251 : i32
      %parallel_loop3A_253 = arith.index_cast %parallel_loop3A_252 : i32 to index
      %parallel_loop3A_254 = tpu.vector_load %arg5[%parallel_loop3A_253] {strides = array<i32>} : memref<26624xf32, #tpu.memory_space<vmem>>, vector<16xf32>,
      tpu.vector_store %arg5[%parallel_loop3A_253], %parallel_loop3A_250 {strides = array<i32>} : memref<26624xf32, #tpu.memory_space<vmem>>, vector<16xf32>,
    } {sc.loop_unroll_factor = 2 : i64, sc.parallel_access}
    "tpu.region"() ({
      %run_scoped3A = tpu.sem_alloc : memref<!tpu.dma_semaphore, #tpu.memory_space<semaphore_mem>>
      %dma_start3A_139 = arith.constant 0 : i32
      %dma_start3A_140 = tpu.memref_slice %arg5[%dma_start3A_139] : memref<26624xf32, #tpu.memory_space<vmem>> -> memref<1664xf32, #tpu.memory_space<vmem>>
      %dma_start3A_141 = tpu.memref_slice %arg3[%arg0, %mul3A_135] : memref<2x26624xf32, #tpu.memory_space<hbm>> -> memref<1x1664xf32, #tpu.memory_space<hbm>>
      %dma_start3A_142 = tpu.memref_squeeze %dma_start3A_141 : memref<1x1664xf32, #tpu.memory_space<hbm>> -> memref<1664xf32, #tpu.memory_space<hbm>>
      %dma_start3A_143 = tpu.memref_slice %arg3[%arg0, %mul3A_135] : memref<2x26624xf32, #tpu.memory_space<hbm>> -> memref<1x1664xf32, #tpu.memory_space<hbm>>
      %dma_start3A_144 = tpu.memref_squeeze %dma_start3A_143 : memref<1x1664xf32, #tpu.memory_space<hbm>> -> memref<1664xf32, #tpu.memory_space<hbm>>
      %dma_start3A_145 = arith.constant 0 : i32
      %dma_start3A_146 = tpu.memref_slice %arg5[%dma_start3A_145] : memref<26624xf32, #tpu.memory_space<vmem>> -> memref<1664xf32, #tpu.memory_space<vmem>>
      tpu.enqueue_dma source(%dma_start3A_146 : memref<1664xf32, #tpu.memory_space<vmem>>) target(%dma_start3A_144 : memref<1664xf32, #tpu.memory_space<hbm>>) target_semaphore(%run_scoped3A : memref<!tpu.dma_semaphore, #tpu.memory_space<semaphore_mem>>)
      %dma_wait3A_147 = arith.constant 0 : i32
      %dma_wait3A_148 = tpu.memref_slice %arg5[%dma_wait3A_147] : memref<26624xf32, #tpu.memory_space<vmem>> -> memref<1664xf32, #tpu.memory_space<vmem>>
      %dma_wait3A_149 = tpu.memref_slice %arg3[%arg0, %mul3A_135] : memref<2x26624xf32, #tpu.memory_space<hbm>> -> memref<1x1664xf32, #tpu.memory_space<hbm>>
      %dma_wait3A_150 = tpu.memref_squeeze %dma_wait3A_149 : memref<1x1664xf32, #tpu.memory_space<hbm>> -> memref<1664xf32, #tpu.memory_space<hbm>>
      %dma_wait3A_151 = tpu.memref_slice %arg3[%arg0, %mul3A_135] : memref<2x26624xf32, #tpu.memory_space<hbm>> -> memref<1x1664xf32, #tpu.memory_space<hbm>>
      %dma_wait3A_152 = tpu.memref_squeeze %dma_wait3A_151 : memref<1x1664xf32, #tpu.memory_space<hbm>> -> memref<1664xf32, #tpu.memory_space<hbm>>
      %dma_wait3A_153 = arith.constant 0 : i32
      %dma_wait3A_154 = tpu.memref_slice %arg5[%dma_wait3A_153] : memref<26624xf32, #tpu.memory_space<vmem>> -> memref<1664xf32, #tpu.memory_space<vmem>>
      tpu.wait_dma2 semaphore(%run_scoped3A : memref<!tpu.dma_semaphore, #tpu.memory_space<semaphore_mem>>) src(%dma_wait3A_154 : memref<1664xf32, #tpu.memory_space<vmem>>) dst(%dma_wait3A_152 : memref<1664xf32, #tpu.memory_space<hbm>>)
      tpu.yield
    }) : () -> ()
    return
  }
}

module attributes {stable_mosaic.version = 14 : i64} {
  func.func @_matvec_body(%arg0: i32, %arg1: memref<2x26624xf32, #tpu.memory_space<vmem>>, %arg2: memref<4096x256xf32, #tpu.memory_space<vmem>>, %arg3: memref<1024x256xf32, #tpu.memory_space<vmem>>, %arg4: memref<1x256xf32, #tpu.memory_space<vmem>>, %arg5: memref<2x256xf32, #tpu.memory_space<vmem>>) attributes {dimension_semantics = [#tpu.dimension_semantics<arbitrary>], iteration_bounds = array<i64: 5>, scalar_prefetch = 0 : i64, scratch_operands = 1 : i64, tpu.core_type = #tpu.core_type<tc>, window_params = [{pipeline_mode = #tpu.pipeline_mode<synchronous>, transform_indices = @transform_0, window_bounds = array<i64: 2, 26624>}, {transform_indices = @transform_1, window_bounds = array<i64: 4096, 256>}, {transform_indices = @transform_2, window_bounds = array<i64: 1024, 256>}, {pipeline_mode = #tpu.pipeline_mode<synchronous>, transform_indices = @transform_3, window_bounds = array<i64: 1, 256>}]} {
    %eq3A = arith.constant 0 : i32
    %eq3A_0 = arith.cmpi eq, %arg0, %eq3A : i32
    %convert_element_type3A = arith.extui %eq3A_0 : i1 to i32
    %cond3A = arith.constant 0 : i32
    %cond3A_1 = arith.cmpi ne, %convert_element_type3A, %cond3A : i32
    scf.if %cond3A_1 {
      %broadcast_in_dim3A_53 = arith.constant 0.000000e+00 : f32
      %broadcast_in_dim3A_54 = vector.broadcast %broadcast_in_dim3A_53 : f32 to vector<2x256xf32>
      %swap3A_55 = arith.constant 0 : index
      %swap3A_56 = arith.constant 0 : index
      %swap3A_57 = vector.load %arg5[%swap3A_55, %swap3A_56] : memref<2x256xf32, #tpu.memory_space<vmem>>, vector<2x256xf32>
      tpu.vector_store %arg5[%swap3A_55, %swap3A_56], %broadcast_in_dim3A_54 {strides = array<i32>} : memref<2x256xf32, #tpu.memory_space<vmem>>, vector<2x256xf32>,
    } else {
    }
    %mul3A = arith.constant 4096 : i32
    %mul3A_2 = arith.muli %arg0, %mul3A : i32
    %get3A = arith.constant 0 : index
    %get3A_3 = arith.index_cast %mul3A_2 : i32 to index
    %get3A_4 = vector.load %arg1[%get3A, %get3A_3] : memref<2x26624xf32, #tpu.memory_space<vmem>>, vector<2x4096xf32>
    %mul3A_5 = arith.constant 1024 : i32
    %mul3A_6 = arith.muli %arg0, %mul3A_5 : i32
    %add3A = arith.constant 20096 : i32
    %add3A_7 = arith.addi %add3A, %mul3A_6 : i32
    %get3A_8 = arith.constant 0 : index
    %get3A_9 = arith.index_cast %add3A_7 : i32 to index
    %get3A_10 = vector.load %arg1[%get3A_8, %get3A_9] : memref<2x26624xf32, #tpu.memory_space<vmem>>, vector<2x1024xf32>
    %mul3A_11 = arith.constant 4096 : i32
    %mul3A_12 = arith.muli %arg0, %mul3A_11 : i32
    %iota3A = tpu.iota {dimensions = array<i32: 0>} : vector<4096x1xi32>
    %add3A_13 = vector.broadcast %mul3A_12 : i32 to vector<4096x1xi32>
    %add3A_14 = arith.addi %add3A_13, %iota3A : vector<4096x1xi32>
    %lt3A = arith.constant 20000 : i32
    %lt3A_15 = vector.broadcast %lt3A : i32 to vector<4096x1xi32>
    %lt3A_16 = arith.cmpi slt, %add3A_14, %lt3A_15 : vector<4096x1xi32>
    %get3A_17 = arith.constant 0 : index
    %get3A_18 = arith.constant 0 : index
    %get3A_19 = vector.load %arg2[%get3A_17, %get3A_18] : memref<4096x256xf32, #tpu.memory_space<vmem>>, vector<4096x256xf32>
    %jit3A = arith.constant 0.000000e+00 : f32
    %broadcast_in_dim3A = vector.shape_cast %lt3A_16 : vector<4096x1xi1> to vector<4096x1xi1>
    %broadcast_in_dim3A_20 = vector.broadcast %broadcast_in_dim3A : vector<4096x1xi1> to vector<4096x256xi1>
    %broadcast_in_dim3A_21 = vector.broadcast %jit3A : f32 to vector<4096x256xf32>
    %select_n3A = arith.select %broadcast_in_dim3A_20, %get3A_19, %broadcast_in_dim3A_21 : vector<4096x256xi1>, vector<4096x256xf32>
    %mul3A_22 = arith.constant 1024 : i32
    %mul3A_23 = arith.muli %arg0, %mul3A_22 : i32
    %iota3A_24 = tpu.iota {dimensions = array<i32: 0>} : vector<1024x1xi32>
    %add3A_25 = vector.broadcast %mul3A_23 : i32 to vector<1024x1xi32>
    %add3A_26 = arith.addi %add3A_25, %iota3A_24 : vector<1024x1xi32>
    %lt3A_27 = arith.constant 5000 : i32
    %lt3A_28 = vector.broadcast %lt3A_27 : i32 to vector<1024x1xi32>
    %lt3A_29 = arith.cmpi slt, %add3A_26, %lt3A_28 : vector<1024x1xi32>
    %get3A_30 = arith.constant 0 : index
    %get3A_31 = arith.constant 0 : index
    %get3A_32 = vector.load %arg3[%get3A_30, %get3A_31] : memref<1024x256xf32, #tpu.memory_space<vmem>>, vector<1024x256xf32>
    %jit3A_33 = arith.constant 0.000000e+00 : f32
    %broadcast_in_dim3A_34 = vector.shape_cast %lt3A_29 : vector<1024x1xi1> to vector<1024x1xi1>
    %broadcast_in_dim3A_35 = vector.broadcast %broadcast_in_dim3A_34 : vector<1024x1xi1> to vector<1024x256xi1>
    %broadcast_in_dim3A_36 = vector.broadcast %jit3A_33 : f32 to vector<1024x256xf32>
    %select_n3A_37 = arith.select %broadcast_in_dim3A_35, %get3A_32, %broadcast_in_dim3A_36 : vector<1024x256xi1>, vector<1024x256xf32>
    %dot_general3A = arith.constant dense<0.000000e+00> : vector<2x256xf32>
    %dot_general3A_38 = tpu.matmul %get3A_4, %select_n3A, %dot_general3A {dimension_numbers = #tpu.dot_dimension_numbers<[1], [0], [0], [1], [0, 0, 1, 1], [], []>, precision = #tpu.contract_precision<fp32>, transpose_lhs_hint = false} : vector<2x4096xf32>, vector<4096x256xf32>, vector<2x256xf32> -> vector<2x256xf32>
    %dot_general3A_39 = arith.constant dense<0.000000e+00> : vector<2x256xf32>
    %dot_general3A_40 = tpu.matmul %get3A_10, %select_n3A_37, %dot_general3A_39 {dimension_numbers = #tpu.dot_dimension_numbers<[1], [0], [0], [1], [0, 0, 1, 1], [], []>, precision = #tpu.contract_precision<fp32>, transpose_lhs_hint = false} : vector<2x1024xf32>, vector<1024x256xf32>, vector<2x256xf32> -> vector<2x256xf32>
    %add3A_41 = arith.addf %dot_general3A_38, %dot_general3A_40 : vector<2x256xf32>
    %get3A_42 = arith.constant 0 : index
    %get3A_43 = arith.constant 0 : index
    %get3A_44 = vector.load %arg5[%get3A_42, %get3A_43] : memref<2x256xf32, #tpu.memory_space<vmem>>, vector<2x256xf32>
    %add3A_45 = arith.addf %get3A_44, %add3A_41 : vector<2x256xf32>
    %swap3A = arith.constant 0 : index
    %swap3A_46 = arith.constant 0 : index
    %swap3A_47 = vector.load %arg5[%swap3A, %swap3A_46] : memref<2x256xf32, #tpu.memory_space<vmem>>, vector<2x256xf32>
    tpu.vector_store %arg5[%swap3A, %swap3A_46], %add3A_45 {strides = array<i32>} : memref<2x256xf32, #tpu.memory_space<vmem>>, vector<2x256xf32>,
    %eq3A_48 = arith.constant 4 : i32
    %eq3A_49 = arith.cmpi eq, %arg0, %eq3A_48 : i32
    %convert_element_type3A_50 = arith.extui %eq3A_49 : i1 to i32
    %cond3A_51 = arith.constant 0 : i32
    %cond3A_52 = arith.cmpi ne, %convert_element_type3A_50, %cond3A_51 : i32
    scf.if %cond3A_52 {
      %get3A_53 = arith.constant 0 : index
      %get3A_54 = arith.constant 0 : index
      %get3A_55 = vector.load %arg5[%get3A_53, %get3A_54] : memref<2x256xf32, #tpu.memory_space<vmem>>, vector<1x256xf32>
      %get3A_56 = arith.constant 1 : index
      %get3A_57 = arith.constant 0 : index
      %get3A_58 = vector.load %arg5[%get3A_56, %get3A_57] : memref<2x256xf32, #tpu.memory_space<vmem>>, vector<1x256xf32>
      %add3A_59 = arith.addf %get3A_55, %get3A_58 : vector<1x256xf32>
      %mul3A_60 = arith.constant 9.76562546E-7 : f32
      %mul3A_61 = vector.broadcast %mul3A_60 : f32 to vector<1x256xf32>
      %mul3A_62 = arith.mulf %add3A_59, %mul3A_61 : vector<1x256xf32>
      %swap3A_63 = arith.constant 0 : index
      %swap3A_64 = arith.constant 0 : index
      %swap3A_65 = vector.load %arg4[%swap3A_63, %swap3A_64] : memref<1x256xf32, #tpu.memory_space<vmem>>, vector<1x256xf32>
      tpu.vector_store %arg4[%swap3A_63, %swap3A_64], %mul3A_62 {strides = array<i32>} : memref<1x256xf32, #tpu.memory_space<vmem>>, vector<1x256xf32>,
    } else {
    }
    return
  }
  func.func @transform_0(%arg0: i32) -> (i32, i32) {
    %c0_i32 = arith.constant 0 : i32
    %c0_i32_0 = arith.constant 0 : i32
    %c0_i32_1 = arith.constant 0 : i32
    return %c0_i32, %c0_i32_0 : i32, i32
  }
  func.func @transform_1(%arg0: i32) -> (i32, i32) {
    %c0_i32 = arith.constant 0 : i32
    %c0_i32_0 = arith.constant 0 : i32
    return %arg0, %c0_i32 : i32, i32
  }
  func.func @transform_2(%arg0: i32) -> (i32, i32) {
    %c0_i32 = arith.constant 0 : i32
    %c0_i32_0 = arith.constant 0 : i32
    return %arg0, %c0_i32 : i32, i32
  }
  func.func @transform_3(%arg0: i32) -> (i32, i32) {
    %c0_i32 = arith.constant 0 : i32
    %c0_i32_0 = arith.constant 0 : i32
    %c0_i32_1 = arith.constant 0 : i32
    return %c0_i32, %c0_i32_0 : i32, i32
  }
}

</mosaic_0001>

<sc_bundles>
// kernel: kernel.4.cloned.1.call-start
scs
__scs_entry_jumppad:
0x0: {  	(pc) =	sbr.rel $0x88, $3  }
0x1: {  	(tag) =	ssettag $0x0;
	lr =	simm.s32 $0x1  }
0x2: {  	[smem:$0x3F9E] =	sst lr;
	_ =	strace $0xD0000000  }
0x3: {  	_ = 	snop  }
0x4: {  	_ = 	snop  }
0x5: {  	_ = 	snop  }
0x6: {  	_ = 	snop  }
0x7: {  	_ = 	snop  }
__scs_overlays_trampoline_lowered:
0x8: {  	[smem:$0x3FAD] =	sst s0  }
0x9: {  	[smem:$0x3FAE] =	sst s1  }
0xa: {  	[smem:$0x3FAF] =	sst s2  }
0xb: {  	[smem:$0x3FB0] =	sst s3  }
0xc: {  	[smem:$0x3FB1] =	sst s4  }
0xd: {  	[smem:$0x3FB2] =	sst s5  }
0xe: {  	[smem:$0x3FB3] =	sst s6  }
0xf: {  	[smem:$0x3FB4] =	sst s7  }
0x10: {  	[smem:$0x3FB5] =	sst s8  }
0x11: {  	[smem:$0x3FB6] =	sst s9;
	s0 =	simm.s32 @!p0 $0x0  }
0x12: {  	s1 =	sld [smem:$0x3F9C];
	s0 =	simm.s32 @p0 $0x1  }
0x13: {  	[smem:$0x3FB7] =	sst s0;
	s0 =	simm.s32 @!p1 $0x0  }
0x14: {  	s2 =	sld [smem:$0x3F9B];
	s0 =	simm.s32 @p1 $0x1  }
0x15: {  	[smem:$0x3FB8] =	sst s0;
	s0 =	simm.s32 @!p2 $0x0  }
0x16: {  	s3 =	sld [smem:$0x3FDB];
	s0 =	simm.s32 @p2 $0x1  }
0x17: {  	s4 =	simm.s32 $0x1BF5;
	[smem:$0x3FBA] =	sst s0  }
0x18: {  	s0 =	sld [smem:$0x3F9D];
	_ =	swait.ge [sflag:s4], $0x0  }
0x19: {  	s7 =	sld [smem:$0x3F9E]  }
0x1a: {  	s8 =	sadd.s32 $0xFFFFE003, lr  }
0x1b: {  	s9 =	sadd.s32 $0xFFFFFEF7, lr;
	s5 =	simm.s32 $0xFFFFFFFF;
	p2 =	slt.u32 s8, $0xFFFFF086  }
0x1c: {  	p1 =	slt.u32 s9, $0xF7A;
	s5 =	simm.s32 @!p2 $0x0  }
0x1d: {  	s5 =	simm.s32 @p1 $0x1;
	p0 =	seq.s32 s7, s2  }
0x1e: {  	s7 =	smul.u32 @!p0 $0xF7A, s2;
	p2 =	seq.s32 @!p0 s5, $0x0  }
0x1f: {  	s9 =	smul.u32 $0xF7A, s1;
	s8 =	simm.s32 @!p0 $0x1BF5;
	p2 =	por !p2, p0  }
0x20: {  	[sflag:s8] =	ssyncset.s32 @!p0 $0xFFFFF086;
	s6 =	sadd.s32 @!p0 s3, s7;
	s7 =	simm.s32 @!p0 $0x108  }
0x21: {  	s3 =	sadd.s32 s3, s9;
	s6 =	sadd.s32 @!p0 $0x88, s6;
	s7 =	simm.s32 @p2 $0x1082  }
0x22: {  	[simem:s7], [sflag:s8] =	dma.local @!p0 [hbm:s6], $0xF7A  }
0x23: {  	s9 =	sor.u32 $0xD0000000, s2;
	s6 =	simm.s32 $0x108;
	_ =	swait.ge @!p0 [sflag:s8], $0x0  }
0x24: {  	s3 =	sadd.s32 $0x88, s3;
	s6 =	simm.s32 @!p1 $0x1082;
	[sflag:s4] =	ssyncset.s32 $0xFFFFF086  }
0x25: {  	[simem:s6], [sflag:s4] =	dma.local [hbm:s3], $0xF7A  }
0x26: {  	[smem:$0x3F9E] =	sst s1;
	(tag) =	ssettag s2;
	_ =	strace s9  }
0x27: {  	s1 =	sld [smem:$0x3FAE]  }
0x28: {  	s2 =	sld [smem:$0x3FAF]  }
0x29: {  	s4 =	sld [smem:$0x3FB1]  }
0x2a: {  	p0 =	seq.s32 s5, $0x0;
	s5 =	sld [smem:$0x3FB2]  }
0x2b: {  	s6 =	sld [smem:$0x3FB3]  }
0x2c: {  	s7 =	sld [smem:$0x3FB4]  }
0x2d: {  	s3 =	simm.s32 $0x108;
	s8 =	sld [smem:$0x3FB5]  }
0x2e: {  	s3 =	simm.s32 @!p0 $0x1082;
	s9 =	sld [smem:$0x3FB6]  }
0x2f: {  	lr =	sadd.s32 s0, s3;
	s0 =	sld [smem:$0x3FAD]  }
0x30: {  	s3 =	sld [smem:$0x3FB0]  }
0x31: {  	[smem:$0x3FB9] =	sst s10  }
0x32: {  	s10 =	sld [smem:$0x3FB7];
	_ =	sdelay $0x3  }
0x33: {  	p0 =	seq.s32 s10, $0x1;
	s10 =	sld [smem:$0x3FB9];
	_ =	sdelay $0x3  }
0x34: {  	[smem:$0x3FB9] =	sst s10  }
0x35: {  	s10 =	sld [smem:$0x3FB8];
	_ =	sdelay $0x3  }
0x36: {  	p1 =	seq.s32 s10, $0x1;
	s10 =	sld [smem:$0x3FB9];
	_ =	sdelay $0x3  }
0x37: {  	[smem:$0x3FB9] =	sst s10  }
0x38: {  	s10 =	sld [smem:$0x3FBA]  }
0x39: {  	_ = 	snop;
	(pc) =	sbr.ind lr, $3  }
0x3a: {  	_ = 	snop  }
0x3b: {  	_ = 	snop  }
0x3c: {  	p2 =	seq.s32 s10, $0x1;
	s10 =	sld [smem:$0x3FB9]  }
0x3d: {  	_ =	shalt  }
0x3e: {  	_ =	shalt  }
0x3f: {  	_ =	shalt  }
0x40: {  	_ =	shalt  }
0x41: {  	_ =	shalt  }
0x42: {  	_ =	shalt  }
0x43: {  	_ =	shalt  }
0x44: {  	_ =	shalt  }
0x45: {  	_ =	shalt  }
0x46: {  	_ =	shalt  }
0x47: {  	_ =	shalt  }
0x48: {  	_ =	shalt  }
0x49: {  	_ =	shalt  }
0x4a: {  	_ =	shalt  }
0x4b: {  	_ =	shalt  }
0x4c: {  	_ =	shalt  }
0x4d: {  	_ =	shalt  }
0x4e: {  	_ =	shalt  }
0x4f: {  	_ =	shalt  }
0x50: {  	_ =	shalt  }
0x51: {  	_ =	shalt  }
0x52: {  	_ =	shalt  }
0x53: {  	_ =	shalt  }
0x54: {  	_ =	shalt  }
0x55: {  	_ =	shalt  }
0x56: {  	_ =	shalt  }
0x57: {  	_ =	shalt  }
0x58: {  	_ =	shalt  }
0x59: {  	_ =	shalt  }
0x5a: {  	_ =	shalt  }
0x5b: {  	_ =	shalt  }
0x5c: {  	_ =	shalt  }
0x5d: {  	_ =	shalt  }
0x5e: {  	_ =	shalt  }
0x5f: {  	_ =	shalt  }
0x60: {  	_ =	shalt  }
0x61: {  	_ =	shalt  }
0x62: {  	_ =	shalt  }
0x63: {  	_ =	shalt  }
0x64: {  	_ =	shalt  }
0x65: {  	_ =	shalt  }
0x66: {  	_ =	shalt  }
0x67: {  	_ =	shalt  }
0x68: {  	_ =	shalt  }
0x69: {  	_ =	shalt  }
0x6a: {  	_ =	shalt  }
0x6b: {  	_ =	shalt  }
0x6c: {  	_ =	shalt  }
0x6d: {  	_ =	shalt  }
0x6e: {  	_ =	shalt  }
0x6f: {  	_ =	shalt  }
0x70: {  	_ =	shalt  }
0x71: {  	_ =	shalt  }
0x72: {  	_ =	shalt  }
0x73: {  	_ =	shalt  }
0x74: {  	_ =	shalt  }
0x75: {  	_ =	shalt  }
0x76: {  	_ =	shalt  }
0x77: {  	_ =	shalt  }
0x78: {  	_ =	shalt  }
0x79: {  	_ =	shalt  }
0x7a: {  	_ =	shalt  }
0x7b: {  	_ =	shalt  }
0x7c: {  	_ =	shalt  }
0x7d: {  	_ =	shalt  }
0x7e: {  	_ =	shalt  }
0x7f: {  	_ =	shalt  }
0x80: {  	_ =	shalt  }
0x81: {  	_ =	shalt  }
0x82: {  	_ =	shalt  }
0x83: {  	_ =	shalt  }
0x84: {  	_ =	shalt  }
0x85: {  	_ =	shalt  }
0x86: {  	_ =	shalt  }
0x87: {  	_ =	shalt  }
.Lfunc_end0:
.L_simem_size_0:
called_computation_lowered:
.L_overlay_start_0:
0x88: {  	s2 =	sld [smem:$0x3FD9]  }
0x89: {  	s3 =	sld [smem:$0x3FFE];
	_ =	sdelay $0x1  }
0x8a: {  	s1 =	srdreg.scid  }
0x8b: {  	s0 =	sand.u32 $0x1, s1  }
0x8c: {  	s16 =	sshll.u32 s0, $0xA;
	s2 =	sadd.s32 s3, s2  }
0x8d: {  	s2 =	sadd.s32 s2, s16  }
0x8e: {  	[smem:$0x3FC5] =	sst s2  }
0x8f: {  	_ = 	snop  }
0x90: {  	(tm) =	ssettm $0x1  }
0x91: {  	s17 =	sld [smem:$0x3FFB];
	_ =	sdelay $0x3  }
0x92: {  	_ =	strace s17  }
0x93: {  	s2 =	sld [smem:$0x3FFC];
	_ =	sdelay $0x3  }
0x94: {  	_ =	strace s2  }
0x95: {  	s2 =	sld [smem:$0x3FFD];
	_ =	sdelay $0x3  }
0x96: {  	_ =	strace s2  }
0x97: {  	_ =	strace $0x8FFFFFFF  }
0x98: {  	s18 =	sld [smem:$0x3FDB];
	_ =	sdelay $0x1  }
0x99: {  	s19 =	simm.s32 $_scs_section_size  }
0x9a: {  	s4 =	simm.s32 $_size__tile_overlayer_lowered;
	s5 =	simm.s32 $_tile_overlayer_lowered  }
0x9b: {  	s22 =	simm.s32 $0x1BFF;
	s21 =	sshll.u32 s5, $0x1;
	s2 =	sadd.s32 s19, s18  }
0x9c: {  	s6 =	simm.s32 $0x0;
	s20 =	sshll.u32 s4, $0x1;
	s4 =	sadd.s32 s21, s2  }
0x9d: {  	[timem:s6], [sflag:s22] =	dma.local [hbm:s4], s20  }
0x9e: {  	_ =	swait.ge [sflag:s22], s20  }
0x9f: {  	s3 =	ssub.s32 $0x0, s20;
	[sflag:s22] =	ssyncset.done $0x0  }
0xa0: {  	[sflag:s22] =	ssyncadd.s32 s3;
	_ =	sdelay $0x1  }
0xa1: {  	s23 =	simm.s32 $0x1B8B  }
0xa2: {  	_ =	swait.ge [sflag:s23], $0x1  }
0xa3: {  	[sflag:s23] =	ssyncset.done $0x0  }
0xa4: {  	s25 =	simm.s32 $0x1B8E;
	s24 =	sld [smem:$0x3FFE];
	[sflag:s23] =	ssyncadd.s32 $0xFFFFFFFF  }
0xa5: {  	s26 =	simm.s32 $execute0_lowered;
	[smem:$0x3FD2] =	sst s25  }
0xa6: {  	s4 =	sshll.u32 s26, $0x1;
	_ =	strace $0x80000046;
	[dreg:$0x1] =	wrdreg $0xFFFFFFFF  }
0xa7: {  	s28 =	simm.s32 $_size_execute0_lowered;
	s2 =	sadd.s32 s2, s4;
	[dreg:$0x0] =	wrdreg $0x0  }
0xa8: {  	s4 =	sshll.u32 s28, $0x1;
	[dreg:$0x2] =	wrdreg s2  }
0xa9: {  	[dreg:$0x3] =	wrdreg s4  }
0xaa: {  	[dreg:$0x4] =	wrdreg $0xC0  }
0xab: {  	_ =	task [dreg:s6], $0x5FFFF  }
0xac: {  	[dreg:$0x1] =	wrdreg $0xFFFFFFFF  }
0xad: {  	[dreg:$0x0] =	wrdreg $0x60  }
0xae: {  	[dreg:$0x2] =	wrdreg s24  }
0xaf: {  	[dreg:$0x3] =	wrdreg $0x150000  }
0xb0: {  	[dreg:$0x4] =	wrdreg $0x9  }
0xb1: {  	_ =	task.clear_ibuf [dreg:s6], $0x5FFFF;
	_ =	strace $0x90000046  }
0xb2: {  	s29 =	simm.s32 $0x9;
	_ =	strace $0x80000048  }
0xb3: {  	_ =	swait.ge [sflag:s29], $0x1  }
0xb4: {  	[sflag:s29] =	ssyncadd.s32 $0xFFFFFFFF  }
0xb5: {  	_ =	strace $0x90000048  }
0xb6: {  	_ =	sfence  }
0xb7: {  	s30 =	sld [smem:$0x0];
	_ =	sdelay $0x2  }
0xb8: {  	s31 =	sshll.u32 s1, $0xD;
	s1 =	sshrl.u32 s1, $0x2  }
0xb9: {  	s3 =	sand.u32 $0x4000, s31;
	s1 =	sadd.s32 s1, s30  }
0xba: {  	s0 =	sor.u32 s3, s0;
	s1 =	sshll.u32 s1, $0x11  }
0xbb: {  	s0 =	sor.u32 s1, s0  }
0xbc: {  	s0 =	sadd.s32 $0x8F2B, s0  }
0xbd: {  	[sflag:s0] =	ssyncadd.remote.s32 $0x1  }
0xbe: {  	_ =	sfence.sel $0xFFFF  }
0xbf: {  	[dreg:$0x0] =	wrdreg $0xFFFFFFFF;
	(pc) =	sbr.abs _section_cstart, $3  }
0xc0: {  	[dreg:$0x1] =	wrdreg $0xFFFFFFFF  }
0xc1: {  	_ =	task.clear_ibuf [dreg:s6], $0x2FFFF;
	_ =	strace $0x9FFFFFFF  }
0xc2: {  	(tm) =	ssettm $0x7FFFFFFF  }
0xc3: {  	_ =	shalt  }
tec
execute0_lowered:
.L_overlay_start_1:
0x0: {  	(tag) =	ssettag $0x1  }
0x1: {  	s0 =	srdreg.scid  }
0x2: {  	s12 =	stileid.u32;
	s3 =	rddreg [dreg:$0x0]  }
0x3: {  	s9 =	rddreg [dreg:$0x1];
	s2 =	simm.s32 $0x0;
	s14 =	simm.s32 $0x1  }
0x4: {  	s15 =	simm.s32 $0x8000;
	s16 =	simm.s32 $0x80;
	s18 =	simm.s32 $0x2  }
0x5: {  	s19 =	simm.s32 $0x3400;
	s20 =	simm.s32 $0x34000;
	s21 =	simm.s32 $0xE800  }
0x6: {  	s22 =	simm.s32 $0x100;
	s23 =	simm.s32 $0x0;
	s0 =	sand.u32 $0x1, s0  }
0x7: {  	s1 =	sshll.u32 s12, $0x1;
	s4 =	smul.u32 $0xD00, s12;
	[smem:$0x7FF] =	sst s2  }
0x8: {  	s31 =	sshrl.u32 s12, $0x3;
	s11 =	smul.u32 $0xD000, s12;
	s12 =	sshll.u32 s12, $0x7  }
0x9: {  	s1 =	sor.u32 s0, s1;
	s6 =	sshll.u32 s0, $0x7;
	_ =	strace $0x80000047  }
0xa: {  	s0 =	ssub.s32 $0x2, s0;
	s8 =	smul.u32 $0xD0000, s31;
	s12 =	sand.u32 $0x380, s12  }
0xb: {  	s1 =	smul.u32 $0x7D, s1;
	s4 =	sor.u32 s6, s4;
	s30 =	sshrl.u32 s0, $0x1  }
0xc: {  	s11 =	sshrl.u32 s11, $0x2;
	s4 =	sshrl.u32 s4, $0x3;
	s0 =	ssub.s32 s0, s30  }
0xd: {  	s8 =	sshrl.u32 s8, $0x2;
	s5 =	sshll.u32 s1, $0x5;
	s10 =	sadd.s32 s4, s3  }
0xe: {  	s29 =	sadd.s32 $0x7D, s1;
	s1 =	sshrl.u32 s1, $0x5;
	s8 =	sadd.s32 s8, s9  }
0xf: {  	s9 =	sadd.s32 s11, s9;
	s11 =	smax.u32 s0, $0x1;
	s5 =	sand.u32 $0x1FC00, s5  }
0x10: {  	s8 =	sadd.s32 s12, s8;
	s28 =	sadd.s32 s5, s3;
	s3 =	sshrl.u32 s29, $0x5  }
0x11: {  	s10 =	sadd.s32 $0x20200, s10;
	s1 =	ssub.s32 s3, s1;
	s3 =	sadd.s32 $0xE00, s28  }
0x12: {  	s4 =	sadd.s32 $0x1200, s28;
	s5 =	sadd.s32 $0x1600, s28;
	s6 =	sadd.s32 $0x1A00, s28  }
0x13: {  	v0 =	vimm.f32 $0.0e+00;
	v1 =	vimm.f32 $1.000000000e+00;
	s7 =	sshll.u32 s1, $0x9;
	p0 =	sne.s32 s1, $0x4;
	p1 =	slt.s32 s1, $0x1  }
.LBB2_1:
0x14: {  	[tilespmem:s2], [sflag:$0x1] =	stream.linear.gather [hbm4b:s3+s2], $0x2000, $0x38;
	[tilespmem:$0x1B800] =	vst v63  }
0x15: {  	s0 =	simm.s32 $0x2000  }
0x16: {  	[tilespmem:s0], [sflag:$0x1] =	stream.linear.gather [hbm4b:s4+s2], $0x2000, $0x38;
	[tilespmem:$0x1B800] =	vst v63  }
0x17: {  	s31 =	simm.s32 $0x4000  }
0x18: {  	[tilespmem:s31], [sflag:$0x1] =	stream.linear.gather [hbm4b:s5+s2], $0x2000, $0x38;
	[tilespmem:$0x1B800] =	vst v63  }
0x19: {  	s1 =	simm.s32 @!p0 $0x6000;
	s0 =	simm.s32 @!p0 $0x0  }
0x1a: {  	[tilespmem:s1], [sflag:$0x1] =	stream.linear.gather @!p0 [hbm4b:s6+s0], $0x2000, $0x38;
	[tilespmem:$0x1B800] =	vst v63  }
0x1b: {  	s0 =	simm.s32 $0x8040  }
0x1c: {  	[tilespmem:s0+$0xFFFFFFC0] =	vst v0  }
0x1d: {  	[tilespmem:s0+$0x30] =	vst v0  }
0x1e: {  	[tilespmem:s0+$0x20] =	vst v0  }
0x1f: {  	[tilespmem:s0+$0x10] =	vst v0  }
0x20: {  	[tilespmem:s0+$0x0] =	vst v0  }
0x21: {  	[tilespmem:s0+$0xFFFFFFF0] =	vst v0  }
0x22: {  	s1 =	simm.s32 $0x0;
	[tilespmem:s0+$0xFFFFFFE0] =	vst v0  }
.LBB2_2:
0x23: {  	s1 =	sadd.s32 $0x8, s1;
	[tilespmem:s0+$0xFFFFFFD0] =	vst v0;
	s0 =	sadd.s32 $0x80, s0  }
0x24: {  	[tilespmem:s0+$0xFFFFFFC0] =	vst v0;
	p2 =	slt.u32 s1, $0x678  }
0x25: {  	[tilespmem:s0+$0x30] =	vst v0  }
.Ltmp0:
0x26: {  	[tilespmem:s0+$0x20] =	vst v0;
	(pc) =	sbr.rel @p2 .LBB2_2-.Ltmp0, $4  }
0x27: {  	[tilespmem:s0+$0x10] =	vst v0  }
0x28: {  	[tilespmem:s0+$0x0] =	vst v0  }
0x29: {  	[tilespmem:s0+$0xFFFFFFF0] =	vst v0  }
0x2a: {  	[tilespmem:s0+$0xFFFFFFE0] =	vst v0  }
0x2b: {  	[tilespmem:s0+$0xFFFFFFD0] =	vst v0  }
0x2c: {  	_ =	swait.ge [sflag:s14], $0x2000  }
0x2d: {  	[sflag:s14] =	ssyncset.done $0x0  }
0x2e: {  	[sflag:s14] =	ssyncadd.s32 $0xFFFFE000  }
0x2f: {  	_ =	swait.ge [sflag:s14], $0x2000  }
.Ltmp1:
0x30: {  	[sflag:s14] =	ssyncset.done $0x0;
	(pc) =	sbr.rel @p0 .LBB2_5-.Ltmp1, $4  }
0x31: {  	[sflag:s14] =	ssyncadd.s32 $0xFFFFE000  }
0x32: {  	_ =	swait.ge [sflag:s14], $0x2000  }
0x33: {  	[sflag:s14] =	ssyncset.done $0x0  }
0x34: {  	[sflag:s14] =	ssyncadd.s32 $0xFFFFE000  }
.Ltmp2:
0x35: {  	(pc) =	sbr.rel .LBB2_6-.Ltmp2, $4  }
0x36: {  	_ = 	snop  }
0x37: {  	_ =	swait.ge [sflag:s14], $0x2000  }
0x38: {  	[sflag:s14] =	ssyncset.done $0x0  }
0x39: {  	[sflag:s14] =	ssyncadd.s32 $0xFFFFE000  }
.LBB2_5:
.Ltmp3:
0x3a: {  	(pc) =	sbr.rel @p1 .LBB2_9-.Ltmp3, $1  }
0x3b: {  	_ =	sdelay $0x3  }
.LBB2_6:
0x3c: {  	s0 =	simm.s32 $0x0;
	s1 =	simm.s32 $0x0  }
0x3d: {  	s12 =	simm.s32 $0x0;
	s1 =	sand.u32 $0xFFFFE000, s1;
	s0 =	sand.u32 $0x1C00, s0  }
0x3e: {  	s12 =	sand.u32 $0x380, s12;
	s0 =	sor.u32 s0, s1  }
0x3f: {  	s0 =	sor.u32 s12, s0  }
0x40: {  	v2 =	vld [tilespmem:s0+$0x70]  }
0x41: {  	v4 =	vld [tilespmem:s0+$0x0]  }
0x42: {  	v5 =	vld [tilespmem:s0+$0x10]  }
0x43: {  	v6 =	vld [tilespmem:s0+$0x20];
	_ =	sdelay $0x1  }
0x44: {  	vm0 =	vgt.s32 v2, $0x4E1F;
	v7 =	vadd.s32 $0x60, v2  }
0x45: {  	v8 =	vld [tilespmem:s0+$0x30];
	vm1 =	vgt.s32 v4, $0x4E1F;
	v10 =	vadd.s32 $0x60, v4;
	v11 =	vsel vm0, v7, v2  }
0x46: {  	v9 =	vld [tilespmem:s0+$0x40];
	v7 =	vsel vm1, v10, v4;
	vm0 =	vgt.s32 v5, $0x4E1F;
	v2 =	vadd.s32 $0x60, v5  }
0x47: {  	p2 =	sgt.s32 s7, $0x8;
	v3 =	vld [tilespmem:s0+$0x50];
	v4 =	vsel vm0, v2, v5;
	vm0 =	vgt.s32 v6, $0x4E1F;
	v2 =	vadd.s32 $0x60, v6  }
.Ltmp4:
0x48: {  	v5 =	vsel vm0, v2, v6;
	v6 =	vld [tilespmem:s0+$0x60];
	(pc) =	sbr.rel @!p2 .LBB2_8-.Ltmp4, $4  }
0x49: {  	_ = 	snop  }
0x4a: {  	vm0 =	vgt.s32 v8, $0x4E1F;
	v2 =	vadd.s32 $0x60, v8  }
0x4b: {  	v8 =	vsel vm0, v2, v8;
	vm0 =	vgt.s32 v9, $0x4E1F;
	v2 =	vadd.s32 $0x60, v9  }
0x4c: {  	s24 =	simm.s32 $0x400;
	s1 =	simm.s32 $0x8;
	v2 =	vsel vm0, v2, v9;
	vm0 =	vgt.s32 v3, $0x4E1F;
	v9 =	vadd.s32 $0x60, v3;
	[tilespmem:v11+s15+$0x0] =	vst.idx.add.f32.msk $0xffff, v1  }
.LBB2_7:
0x4d: {  	s0 =	sshll.u32 s1, $0x4;
	s12 =	sshll.u32 s1, $0x1;
	s1 =	sadd.s32 $0x8, s1;
	[tilespmem:v7+s15+$0x0] =	vst.idx.add.f32.msk $0xffff, v1;
	v9 =	vsel vm0, v9, v3;
	vm0 =	vgt.s32 v6, $0x4E1F;
	v3 =	vadd.s32 $0x60, v6  }
0x4e: {  	s13 =	sand.u32 $0x1C00, s24;
	s0 =	sand.u32 $0xFFFFE000, s0;
	p2 =	slt.s32 s1, s7;
	[tilespmem:v4+s15+$0x0] =	vst.idx.add.f32.msk $0xffff, v1;
	v10 =	vsel vm0, v3, v6  }
0x4f: {  	s12 =	sand.u32 $0x380, s12;
	s0 =	sor.u32 s13, s0;
	[tilespmem:v5+s15+$0x0] =	vst.idx.add.f32.msk $0xffff, v1  }
0x50: {  	s0 =	sor.u32 s12, s0;
	[tilespmem:v8+s15+$0x0] =	vst.idx.add.f32.msk $0xffff, v1  }
0x51: {  	v4 =	vld [tilespmem:s0+$0x70]  }
0x52: {  	v5 =	vld [tilespmem:s0+$0x0]  }
0x53: {  	v8 =	vld [tilespmem:s0+$0x10]  }
0x54: {  	v11 =	vld [tilespmem:s0+$0x20]  }
0x55: {  	v12 =	vld [tilespmem:s0+$0x30]  }
0x56: {  	v13 =	vld [tilespmem:s0+$0x40];
	vm0 =	vgt.s32 v4, $0x4E1F;
	v6 =	vadd.s32 $0x60, v4  }
0x57: {  	vm1 =	vgt.s32 v5, $0x4E1F;
	v7 =	vadd.s32 $0x60, v5;
	v3 =	vld [tilespmem:s0+$0x50];
	v14 =	vsel vm0, v6, v4  }
.Ltmp5:
0x58: {  	v7 =	vsel vm1, v7, v5;
	vm0 =	vgt.s32 v8, $0x4E1F;
	v4 =	vadd.s32 $0x60, v8;
	v6 =	vld [tilespmem:s0+$0x60];
	(pc) =	sbr.rel @p2 .LBB2_7-.Ltmp5, $4  }
0x59: {  	v4 =	vsel vm0, v4, v8;
	vm0 =	vgt.s32 v11, $0x4E1F;
	v5 =	vadd.s32 $0x60, v11;
	[tilespmem:v2+s15+$0x0] =	vst.idx.add.f32.msk $0xffff, v1  }
0x5a: {  	v5 =	vsel vm0, v5, v11;
	vm0 =	vgt.s32 v12, $0x4E1F;
	v2 =	vadd.s32 $0x60, v12;
	[tilespmem:v9+s15+$0x0] =	vst.idx.add.f32.msk $0xffff, v1  }
0x5b: {  	v8 =	vsel vm0, v2, v12;
	vm0 =	vgt.s32 v13, $0x4E1F;
	v2 =	vadd.s32 $0x60, v13;
	[tilespmem:v10+s15+$0x0] =	vst.idx.add.f32.msk $0xffff, v1  }
0x5c: {  	s24 =	sadd.s32 $0x400, s24;
	v2 =	vsel vm0, v2, v13;
	vm0 =	vgt.s32 v3, $0x4E1F;
	v9 =	vadd.s32 $0x60, v3;
	[tilespmem:v14+s15+$0x0] =	vst.idx.add.f32.msk $0xffff, v1  }
.LBB2_8:
0x5d: {  	_ =	sdelay $0x3  }
0x5e: {  	[tilespmem:v7+s15+$0x0] =	vst.idx.add.f32.msk $0xffff, v1;
	v3 =	vsel vm0, v9, v3;
	vm15 =	vgt.s32 v6, $0x4E1F;
	v62 =	vadd.s32 $0x60, v6  }
0x5f: {  	[tilespmem:v4+s15+$0x0] =	vst.idx.add.f32.msk $0xffff, v1;
	v63 =	vsel vm15, v62, v6  }
0x60: {  	[tilespmem:v5+s15+$0x0] =	vst.idx.add.f32.msk $0xffff, v1  }
0x61: {  	[tilespmem:v8+s15+$0x0] =	vst.idx.add.f32.msk $0xffff, v1  }
0x62: {  	[tilespmem:v2+s15+$0x0] =	vst.idx.add.f32.msk $0xffff, v1  }
0x63: {  	[tilespmem:v3+s15+$0x0] =	vst.idx.add.f32.msk $0xffff, v1  }
0x64: {  	[tilespmem:v63+s15+$0x0] =	vst.idx.add.f32.msk $0xffff, v1  }
.LBB2_9:
0x65: {  	s24 =	simm.s32 $0x8000;
	s0 =	simm.s32 $0x400  }
0x66: {  	[spmem:s8] =	stream.strided.scatter [tilespmem:s24], [sflag:$0x2], $0x6800, s0, s16, $0x38;
	[tilespmem:$0x1B800] =	vst v63  }
0x67: {  	_ =	swait.ge [sflag:s18], $0x6800  }
0x68: {  	[sflag:s18] =	ssyncset.done $0x0  }
0x69: {  	[sflag:s18] =	ssyncadd.s32 $0xFFFF9800  }
0x6a: {  	s30 =	simm.s32 $0x0;
	[bflag:$0x0] =	sbarrier.arrive $0xFFFF  }
0x6b: {  	[tilespmem:s21], [sflag:$0x2] =	stream.strided.gather [spmem:s9], $0x6800, s20, s19, $0x38;
	[tilespmem:$0x1B800] =	vst v63  }
0x6c: {  	s26 =	sand.u32 $0x60, s30;
	s0 =	sand.u32 $0x3C00, s30;
	_ =	swait.ge [sflag:s18], $0x6800  }
0x6d: {  	s1 =	sadd.s32 $0xE800, s0;
	s29 =	sor.u32 $0x10, s26;
	[sflag:s18] =	ssyncset.done $0x0  }
0x6e: {  	s12 =	sor.u32 s29, s1;
	[sflag:s18] =	ssyncadd.s32 $0xFFFF9800  }
0x6f: {  	v2 =	vld [tilespmem:s12+$0x0]  }
0x70: {  	s1 =	sor.u32 s26, s1;
	v3 =	vld [tilespmem:s12+$0x80]  }
0x71: {  	v4 =	vld [tilespmem:s1+$0x0]  }
0x72: {  	v5 =	vld [tilespmem:s12+$0x100]  }
0x73: {  	v6 =	vld [tilespmem:s1+$0x80]  }
0x74: {  	v7 =	vld [tilespmem:s12+$0x180]  }
0x75: {  	v8 =	vld [tilespmem:s1+$0x100]  }
0x76: {  	v9 =	vld [tilespmem:s12+$0x200]  }
0x77: {  	v10 =	vld [tilespmem:s1+$0x180]  }
0x78: {  	v11 =	vld [tilespmem:s12+$0x280]  }
0x79: {  	v12 =	vld [tilespmem:s1+$0x200]  }
0x7a: {  	v13 =	vld [tilespmem:s12+$0x300]  }
0x7b: {  	v14 =	vld [tilespmem:s1+$0x280]  }
0x7c: {  	s13 =	sadd.s32 $0x11C00, s0;
	v15 =	vld [tilespmem:s12+$0x380]  }
0x7d: {  	s17 =	sor.u32 s29, s13;
	v16 =	vld [tilespmem:s1+$0x300]  }
0x7e: {  	s25 =	sadd.s32 $0x11C80, s0;
	v17 =	vld [tilespmem:s17+$0x0]  }
0x7f: {  	v18 =	vld [tilespmem:s1+$0x380];
	s12 =	sor.u32 s29, s25  }
0x80: {  	s17 =	sor.u32 s26, s13;
	s13 =	sadd.s32 $0x11D00, s0;
	v19 =	vld [tilespmem:s12+$0x0]  }
0x81: {  	v20 =	vld [tilespmem:s17+$0x0];
	s12 =	sor.u32 s29, s13  }
0x82: {  	s17 =	sor.u32 s26, s25;
	s25 =	sadd.s32 $0x11D80, s0;
	v21 =	vld [tilespmem:s12+$0x0]  }
0x83: {  	v22 =	vld [tilespmem:s17+$0x0];
	s12 =	sor.u32 s29, s25  }
0x84: {  	s17 =	sor.u32 s26, s13;
	s13 =	sadd.s32 $0x11E00, s0;
	v23 =	vld [tilespmem:s12+$0x0]  }
0x85: {  	v24 =	vld [tilespmem:s17+$0x0];
	s12 =	sor.u32 s29, s13  }
0x86: {  	s17 =	sor.u32 s26, s25;
	s25 =	sadd.s32 $0x11E80, s0;
	v25 =	vld [tilespmem:s12+$0x0]  }
0x87: {  	v26 =	vld [tilespmem:s17+$0x0];
	s12 =	sor.u32 s29, s25  }
0x88: {  	s17 =	sor.u32 s26, s13;
	v27 =	vld [tilespmem:s12+$0x0]  }
0x89: {  	s13 =	sadd.s32 $0x11F00, s0;
	s25 =	sor.u32 s26, s25;
	v28 =	vld [tilespmem:s17+$0x0]  }
0x8a: {  	s0 =	sadd.s32 $0x11F80, s0;
	s17 =	sor.u32 s29, s13;
	v30 =	vld [tilespmem:s25+$0x0]  }
0x8b: {  	s12 =	sor.u32 s29, s0;
	s25 =	simm.s32 $0x20;
	v2 =	vadd.f32 v3, v2;
	v29 =	vld [tilespmem:s17+$0x0];
	s17 =	simm.s32 $0x100  }
0x8c: {  	v3 =	vadd.f32 v6, v4;
	s13 =	sor.u32 s26, s13;
	s28 =	sand.u32 $0x60, s25;
	v4 =	vld [tilespmem:s12+$0x0];
	s1 =	sand.u32 $0x3C00, s17  }
0x8d: {  	s0 =	sor.u32 s26, s0;
	v6 =	vld [tilespmem:s13+$0x0];
	s26 =	sor.u32 $0x10, s28;
	v2 =	vadd.f32 v5, v2;
	s12 =	sadd.s32 $0xE800, s1  }
0x8e: {  	v3 =	vadd.f32 v8, v3;
	v5 =	vld [tilespmem:s0+$0x0];
	s17 =	sor.u32 s26, s12  }
0x8f: {  	v2 =	vadd.f32 v7, v2;
	v8 =	vld [tilespmem:s17+$0x0]  }
0x90: {  	v3 =	vadd.f32 v10, v3;
	s0 =	sor.u32 s28, s12;
	v7 =	vld [tilespmem:s17+$0x80]  }
0x91: {  	v10 =	vld [tilespmem:s0+$0x0];
	v2 =	vadd.f32 v9, v2  }
0x92: {  	v3 =	vadd.f32 v12, v3;
	v9 =	vld [tilespmem:s17+$0x100]  }
0x93: {  	v53 =	vld [tilespmem:s0+$0x80];
	v2 =	vadd.f32 v11, v2  }
0x94: {  	v3 =	vadd.f32 v14, v3;
	v11 =	vld [tilespmem:s17+$0x180]  }
0x95: {  	v7 =	vadd.f32 v7, v8;
	v8 =	vld [tilespmem:s0+$0x100];
	v2 =	vadd.f32 v13, v2  }
0x96: {  	v54 =	vld [tilespmem:s17+$0x200];
	v3 =	vadd.f32 v16, v3  }
0x97: {  	v7 =	vadd.f32 v9, v7;
	v9 =	vld [tilespmem:s0+$0x180];
	v2 =	vadd.f32 v15, v2  }
0x98: {  	v55 =	vld [tilespmem:s17+$0x280];
	v10 =	vadd.f32 v53, v10;
	v3 =	vadd.f32 v18, v3  }
0x99: {  	v7 =	vadd.f32 v11, v7;
	v11 =	vld [tilespmem:s0+$0x200];
	v2 =	vadd.f32 v17, v2  }
0x9a: {  	v56 =	vld [tilespmem:s17+$0x300];
	v3 =	vadd.f32 v20, v3;
	v8 =	vadd.f32 v8, v10  }
0x9b: {  	v10 =	vld [tilespmem:s0+$0x280];
	v7 =	vadd.f32 v54, v7;
	v2 =	vadd.f32 v19, v2  }
0x9c: {  	s12 =	sadd.s32 $0x11C00, s1;
	v57 =	vld [tilespmem:s17+$0x380];
	v3 =	vadd.f32 v22, v3;
	v8 =	vadd.f32 v9, v8  }
0x9d: {  	s17 =	sor.u32 s26, s12;
	v9 =	vld [tilespmem:s0+$0x300];
	v7 =	vadd.f32 v55, v7;
	v2 =	vadd.f32 v21, v2  }
0x9e: {  	s31 =	sadd.s32 $0x11C80, s1;
	v58 =	vld [tilespmem:s17+$0x0];
	v3 =	vadd.f32 v24, v3;
	v8 =	vadd.f32 v11, v8  }
0x9f: {  	s17 =	sor.u32 s26, s31;
	v11 =	vld [tilespmem:s0+$0x380];
	v7 =	vadd.f32 v56, v7;
	v2 =	vadd.f32 v23, v2  }
0xa0: {  	s13 =	sadd.s32 $0x11D00, s1;
	s12 =	sor.u32 s28, s12;
	v59 =	vld [tilespmem:s17+$0x0];
	v3 =	vadd.f32 v26, v3;
	v8 =	vadd.f32 v10, v8  }
0xa1: {  	v10 =	vld [tilespmem:s12+$0x0];
	s12 =	sor.u32 s26, s13;
	v7 =	vadd.f32 v57, v7;
	v2 =	vadd.f32 v25, v2  }
0xa2: {  	s17 =	sor.u32 s28, s31;
	s31 =	sadd.s32 $0x11D80, s1;
	v3 =	vadd.f32 v28, v3;
	v60 =	vld [tilespmem:s12+$0x0];
	v8 =	vadd.f32 v9, v8  }
0xa3: {  	s12 =	sor.u32 s26, s31;
	v9 =	vld [tilespmem:s17+$0x0];
	v7 =	vadd.f32 v58, v7;
	v2 =	vadd.f32 v27, v2  }
0xa4: {  	s17 =	sor.u32 s28, s13;
	s13 =	sadd.s32 $0x11E00, s1;
	v61 =	vld [tilespmem:s12+$0x0];
	v3 =	vadd.f32 v30, v3;
	v8 =	vadd.f32 v11, v8  }
0xa5: {  	s12 =	sor.u32 s26, s13;
	v11 =	vld [tilespmem:s17+$0x0];
	v7 =	vadd.f32 v59, v7;
	v62 =	vadd.f32 v29, v2  }
0xa6: {  	s17 =	sor.u32 s28, s31;
	s31 =	sadd.s32 $0x11E80, s1;
	v63 =	vld [tilespmem:s12+$0x0];
	v3 =	vadd.f32 v6, v3;
	v6 =	vadd.f32 v10, v8  }
0xa7: {  	v2 =	vld [tilespmem:s17+$0x0];
	s0 =	sor.u32 s26, s31;
	v7 =	vadd.f32 v60, v7;
	v8 =	vadd.f32 v4, v62  }
0xa8: {  	s13 =	sor.u32 s28, s13;
	s12 =	sand.u32 $0x780, s30;
	s17 =	sadd.s32 $0x11F00, s1;
	v10 =	vadd.f32 v5, v3;
	v3 =	vld [tilespmem:s0+$0x0];
	v6 =	vadd.f32 v9, v6  }
0xa9: {  	s30 =	simm.s32 $0x2;
	s12 =	sor.u32 s29, s12;
	v4 =	vld [tilespmem:s13+$0x0];
	s13 =	sor.u32 s26, s17;
	v7 =	vadd.f32 v61, v7  }
0xaa: {  	s29 =	sor.u32 s28, s31;
	s31 =	simm.s32 $0x40;
	v5 =	vld [tilespmem:s13+$0x0];
	[tilespmem:s12+$0x8000] =	vst v8;
	s12 =	sadd.s32 $0x11F80, s1;
	v8 =	vadd.f32 v11, v6  }
0xab: {  	s0 =	sor.u32 s28, s17;
	[tilespmem:s24+$0x0] =	vst v10;
	v6 =	vld [tilespmem:s29+$0x0];
	s13 =	sor.u32 s26, s12;
	s29 =	simm.s32 $0x200;
	v7 =	vadd.f32 v63, v7  }
.LBB2_10:
0xac: {  	s1 =	sand.u32 $0x3C00, s29;
	v2 =	vadd.f32 v2, v8;
	s12 =	sor.u32 s28, s12;
	s28 =	sand.u32 $0x60, s31;
	v8 =	vld [tilespmem:s13+$0x0]  }
0xad: {  	s30 =	sadd.s32 $0x2, s30;
	s13 =	sadd.s32 $0xE800, s1;
	s17 =	sor.u32 $0x10, s28;
	v9 =	vld [tilespmem:s0+$0x0];
	v3 =	vadd.f32 v3, v7  }
0xae: {  	p2 =	slt.u32 s30, $0x66;
	s0 =	sor.u32 s28, s13;
	s13 =	sor.u32 s17, s13;
	v2 =	vadd.f32 v4, v2;
	v4 =	vld [tilespmem:s12+$0x0]  }
0xaf: {  	v7 =	vld [tilespmem:s13+$0x0];
	v3 =	vadd.f32 v5, v3  }
0xb0: {  	v5 =	vld [tilespmem:s13+$0x80];
	v2 =	vadd.f32 v6, v2  }
0xb1: {  	s12 =	sand.u32 $0x780, s25;
	s25 =	smov.u32 s31;
	v6 =	vld [tilespmem:s0+$0x0];
	v3 =	vadd.f32 v8, v3  }
0xb2: {  	s12 =	sor.u32 s26, s12;
	s26 =	smov.u32 s17;
	v8 =	vld [tilespmem:s13+$0x100];
	v2 =	vadd.f32 v9, v2  }
0xb3: {  	v9 =	vld [tilespmem:s0+$0x80];
	[tilespmem:s12+$0x8000] =	vst v3  }
0xb4: {  	v3 =	vld [tilespmem:s13+$0x180];
	v2 =	vadd.f32 v4, v2  }
0xb5: {  	s24 =	sadd.s32 $0x20, s24;
	v4 =	vld [tilespmem:s0+$0x100];
	v5 =	vadd.f32 v5, v7  }
0xb6: {  	v7 =	vld [tilespmem:s13+$0x200];
	[tilespmem:s24+$0x0] =	vst v2  }
0xb7: {  	v2 =	vld [tilespmem:s0+$0x180];
	v5 =	vadd.f32 v8, v5  }
0xb8: {  	v6 =	vadd.f32 v9, v6;
	v8 =	vld [tilespmem:s13+$0x280]  }
0xb9: {  	v9 =	vld [tilespmem:s0+$0x200];
	v3 =	vadd.f32 v3, v5  }
0xba: {  	v4 =	vadd.f32 v4, v6;
	v5 =	vld [tilespmem:s13+$0x300]  }
0xbb: {  	v6 =	vld [tilespmem:s0+$0x280];
	v3 =	vadd.f32 v7, v3  }
0xbc: {  	s12 =	sadd.s32 $0x11C00, s1;
	v2 =	vadd.f32 v2, v4;
	v4 =	vld [tilespmem:s13+$0x380]  }
0xbd: {  	s13 =	sor.u32 s28, s12;
	s12 =	sor.u32 s26, s12;
	v7 =	vld [tilespmem:s0+$0x300];
	v3 =	vadd.f32 v8, v3  }
0xbe: {  	s17 =	sadd.s32 $0x11C80, s1;
	v2 =	vadd.f32 v9, v2;
	v8 =	vld [tilespmem:s12+$0x0]  }
0xbf: {  	s12 =	sor.u32 s26, s17;
	v9 =	vld [tilespmem:s0+$0x380];
	s0 =	sor.u32 s28, s17;
	v3 =	vadd.f32 v5, v3  }
0xc0: {  	s17 =	sadd.s32 $0x11D00, s1;
	v2 =	vadd.f32 v6, v2;
	v5 =	vld [tilespmem:s12+$0x0]  }
0xc1: {  	s12 =	sor.u32 s28, s17;
	v6 =	vld [tilespmem:s13+$0x0];
	v3 =	vadd.f32 v4, v3;
	s13 =	sor.u32 s26, s17  }
0xc2: {  	s17 =	sadd.s32 $0x11D80, s1;
	v2 =	vadd.f32 v7, v2;
	v4 =	vld [tilespmem:s13+$0x0]  }
0xc3: {  	s13 =	sor.u32 s26, s17;
	v7 =	vld [tilespmem:s0+$0x0];
	s0 =	sor.u32 s28, s17;
	v3 =	vadd.f32 v8, v3  }
0xc4: {  	s17 =	sadd.s32 $0x11E00, s1;
	v2 =	vadd.f32 v9, v2;
	v8 =	vld [tilespmem:s13+$0x0]  }
0xc5: {  	s13 =	sor.u32 s26, s17;
	v9 =	vld [tilespmem:s12+$0x0];
	s12 =	sor.u32 s28, s17;
	v3 =	vadd.f32 v5, v3  }
0xc6: {  	s17 =	sadd.s32 $0x11E80, s1;
	v5 =	vadd.f32 v6, v2;
	v10 =	vld [tilespmem:s13+$0x0]  }
.Ltmp6:
0xc7: {  	s13 =	sor.u32 s28, s17;
	v2 =	vld [tilespmem:s0+$0x0];
	v6 =	vadd.f32 v4, v3;
	s0 =	sor.u32 s26, s17;
	(pc) =	sbr.rel @p2 .LBB2_10-.Ltmp6, $4  }
0xc8: {  	s17 =	sadd.s32 $0x11F00, s1;
	v5 =	vadd.f32 v7, v5;
	v3 =	vld [tilespmem:s0+$0x0]  }
0xc9: {  	s0 =	sor.u32 s28, s17;
	s17 =	sor.u32 s26, s17;
	v4 =	vld [tilespmem:s12+$0x0];
	v7 =	vadd.f32 v8, v6  }
0xca: {  	s12 =	sadd.s32 $0x11F80, s1;
	v8 =	vadd.f32 v9, v5;
	v5 =	vld [tilespmem:s17+$0x0]  }
0xcb: {  	s29 =	sadd.s32 $0x100, s29;
	s31 =	sadd.s32 $0x20, s31;
	v6 =	vld [tilespmem:s13+$0x0];
	v7 =	vadd.f32 v10, v7;
	s13 =	sor.u32 s26, s12  }
0xcc: {  	v2 =	vadd.f32 v2, v8  }
0xcd: {  	v62 =	vld [tilespmem:s0+$0x0]  }
0xce: {  	s29 =	sor.u32 s28, s12;
	v9 =	vld [tilespmem:s13+$0x0];
	v2 =	vadd.f32 v4, v2  }
0xcf: {  	v3 =	vadd.f32 v3, v7;
	v63 =	vld [tilespmem:s29+$0x0]  }
0xd0: {  	v2 =	vadd.f32 v6, v2  }
0xd1: {  	v3 =	vadd.f32 v5, v3  }
0xd2: {  	v2 =	vadd.f32 v62, v2  }
0xd3: {  	s30 =	sand.u32 $0x780, s25;
	v3 =	vadd.f32 v9, v3  }
0xd4: {  	s23 =	sadd.s32 $0x1, s23;
	s0 =	sor.u32 s26, s30;
	v2 =	vadd.f32 v63, v2  }
0xd5: {  	s31 =	sadd.s32 $0x20, s24;
	p2 =	sne.s32 s23, s11;
	[tilespmem:s0+$0x8000] =	vst v3  }
.Ltmp7:
0xd6: {  	[tilespmem:s31+$0x0] =	vst v2;
	(pc) =	sbr.rel @p2 .LBB2_1-.Ltmp7, $4  }
0xd7: {  	[hbm4b:s10+s16] =	stream.strided.scatter [tilespmem:s15], [sflag:$0x2], $0x680, s22, s16, $0x38;
	[tilespmem:$0x1B800] =	vst v63  }
0xd8: {  	_ =	swait.ge [sflag:s18], $0x680  }
0xd9: {  	[sflag:s18] =	ssyncset.done $0x0  }
0xda: {  	[sflag:s18] =	ssyncadd.s32 $0xFFFFF980  }
0xdb: {  	_ =	sfence.sel $0x180000  }
0xdc: {  	[bflag:$0x0] =	sbarrier.arrive $0xFFFF  }
0xdd: {  	_ =	strace $0x90000047  }
0xde: {  	s0 =	stileid.u32;
	[bflag:$0x2] =	sbarrier.arrive $0xFFFF  }
0xdf: {  	p0 =	sne.s32 s0, $0x0;
	s0 =	rddreg [dreg:$0x2]  }
0xe0: {  	s0 =	sadd.s32 @!p0 $0x100000, s0  }
0xe1: {  	[sflag:s0] =	ssyncadd.tile.s32 @!p0 $0x1;
	_ =	shalt  }
.Lfunc_end2:
_tile_overlayer_lowered:
.L_overlay_start_2:
0xe2: {  	(tag) =	ssettag $0x2  }
0xe3: {  	s0 =	rddreg [dreg:$0x0];
	s2 =	stileid.u32  }
0xe4: {  	s1 =	rddreg [dreg:$0x1];
	p0 =	sne.s32 s2, $0x0  }
0xe5: {  	s3 =	rddreg [dreg:$0x2];
	[bflag:$0x3] =	sbarrier.arrive $0xFFFF;
	s2 =	simm.s32 @!p0 $0x1C02  }
0xe6: {  	[timem:s3], [sflag:s2] =	dma.local @!p0 [hbm:s0], s1  }
0xe7: {  	s0 =	simm.s32 @!p0 $0x2  }
0xe8: {  	_ =	swait.ge @!p0 [sflag:s0], s1  }
0xe9: {  	s1 =	ssub.s32 @!p0 $0x0, s1;
	[sflag:s0] =	ssyncset.done @!p0 $0x0  }
0xea: {  	[sflag:s0] =	ssyncadd.s32 @!p0 s1  }
0xeb: {  	[bflag:$0x3] =	sbarrier.arrive $0xFFFF  }
0xec: {  	_ =	shalt  }

</sc_bundles>
